<compile_context>
chip_gen: v7x
topology: tpu7x:2x2x1
jax: 0.10.2.dev20260603
libtpu: 0.0.44.dev20260713+nightly
codegen_flags: <defaults>
</compile_context>

<pallas_src>
import functools

import jax
import jax.numpy as jnp
from jax import lax
from jax.experimental import pallas as pl
from jax.experimental.pallas import tpu as pltpu
from jax.experimental.pallas import tpu_sc as plsc



def _sc_gather(table, idx):
    V, D = table.shape
    B = idx.shape[0]
    info = plsc.get_sparse_core_info()
    nc, ns = info.num_cores, info.num_subcores
    b_per_w = B // (nc * ns)
    mesh = plsc.VectorSubcoreMesh(core_axis_name="c", subcore_axis_name="s")

    @functools.partial(
        pl.kernel, mesh=mesh,
        out_type=jax.ShapeDtypeStruct((B, D), jnp.float32),
        scratch_types=[
            pltpu.VMEM((b_per_w,), jnp.int32),
            pltpu.VMEM((b_per_w, D), jnp.float32),
            pltpu.SemaphoreType.DMA,
        ],
    )
    def k(table_hbm, idx_hbm, out_hbm, idx_v, rows_v, sem):
        wid = lax.axis_index("s") * nc + lax.axis_index("c")
        base = wid * b_per_w
        pltpu.sync_copy(idx_hbm.at[pl.ds(base, b_per_w)], idx_v)
        pltpu.async_copy(table_hbm.at[idx_v], rows_v, sem).wait()
        pltpu.sync_copy(rows_v, out_hbm.at[pl.ds(base, b_per_w)])

    return k(table, idx)



def _fps_body(planes_ref, psmem_ref, pos_out_ref, idx_out_ref):
    C = planes_ref.shape[2]
    n = idx_out_ref.shape[0]
    px = planes_ref[0]
    py = planes_ref[1]
    pz = planes_ref[2]
    row = lax.broadcasted_iota(jnp.int32, (8, C), 0)
    col = lax.broadcasted_iota(jnp.int32, (8, C), 1)
    flatf = (row * C + col).astype(jnp.float32)
    p0x = psmem_ref[0, 0]
    p0y = psmem_ref[1, 0]
    p0z = psmem_ref[2, 0]
    pos_out_ref[0:1, 0:1] = jnp.full((1, 1), p0x, jnp.float32)
    pos_out_ref[0:1, 1:2] = jnp.full((1, 1), p0y, jnp.float32)
    pos_out_ref[0:1, 2:3] = jnp.full((1, 1), p0z, jnp.float32)
    idx_out_ref[0:1, :] = jnp.zeros((1, 1), jnp.int32)
    d0 = (px - p0x) ** 2 + (py - p0y) ** 2 + (pz - p0z) ** 2
    bigf = jnp.float32(1e30)

    def step(t, d):
        m = jnp.max(d)
        fidx = jnp.min(jnp.where(d == m, flatf, bigf)).astype(jnp.int32)
        nx = psmem_ref[0, fidx]
        ny = psmem_ref[1, fidx]
        nz = psmem_ref[2, fidx]
        pos_out_ref[pl.ds(t, 1), 0:1] = jnp.full((1, 1), nx, jnp.float32)
        pos_out_ref[pl.ds(t, 1), 1:2] = jnp.full((1, 1), ny, jnp.float32)
        pos_out_ref[pl.ds(t, 1), 2:3] = jnp.full((1, 1), nz, jnp.float32)
        idx_out_ref[pl.ds(t, 1), :] = jnp.full((1, 1), fidx, jnp.int32)
        nd = (px - nx) ** 2 + (py - ny) ** 2 + (pz - nz) ** 2
        return jnp.minimum(d, nd)

    lax.fori_loop(1, n, step, d0)


def _fps(pos_rows, n_samples):
    N = pos_rows.shape[0]
    pos_t = pos_rows.T
    planes = pos_t.reshape(3, 8, N // 8)
    pos_s, idx = pl.pallas_call(
        _fps_body,
        in_specs=[
            pl.BlockSpec(),
            pl.BlockSpec(memory_space=pltpu.SMEM),
        ],
        out_shape=[
            jax.ShapeDtypeStruct((n_samples, 3), jnp.float32),
            jax.ShapeDtypeStruct((n_samples, 1), jnp.int32),
        ],
    )(planes, pos_t)
    return pos_s, idx.reshape(n_samples)



def _gather_mlp_body(*refs, n_w, has_pos, has_idx):
    if has_idx:
        idx_ref, src_ref = refs[0], refs[1]
        pos_ref = refs[2] if has_pos else None
        wrefs = refs[(3 if has_pos else 2):-2]
        out_ref, gat = refs[-2], refs[-1]
        n_out = gat.shape[0]

        def body(t, carry):
            gat[pl.ds(t, 1), :] = src_ref[pl.ds(idx_ref[t], 1), :]
            return carry

        lax.fori_loop(0, n_out, body, 0)
        g = gat[...]
    else:
        src_ref = refs[0]
        pos_ref = refs[1] if has_pos else None
        wrefs = refs[(2 if has_pos else 1):-1]
        out_ref = refs[-1]
        g = src_ref[...]
    if has_pos:
        wf, wp, b1 = wrefs[0][...], wrefs[1][...], wrefs[2][...]
        h = jnp.dot(g, wf, preferred_element_type=jnp.float32)
        h = h + jnp.dot(pos_ref[...], wp, preferred_element_type=jnp.float32)
        h = jnp.maximum(h + b1, 0.0)
        wrefs = wrefs[3:]
    else:
        h = g
    for i in range(len(wrefs) // 2):
        w, b = wrefs[2 * i][...], wrefs[2 * i + 1][...]
        h = jnp.maximum(jnp.dot(h, w, preferred_element_type=jnp.float32) + b, 0.0)
    out_ref[...] = h


def _gather_mlp(idx, src, pos_s, weights, out_dim):
    has_idx = idx is not None
    n = idx.shape[0] if has_idx else src.shape[0]
    args = [idx, src] if has_idx else [src]
    in_specs = ([pl.BlockSpec(memory_space=pltpu.SMEM)] if has_idx else [])
    in_specs.append(pl.BlockSpec())
    if pos_s is not None:
        args.append(pos_s)
        in_specs.append(pl.BlockSpec())
    for w in weights:
        args.append(w)
        in_specs.append(pl.BlockSpec())
    body = functools.partial(_gather_mlp_body, n_w=len(weights),
                             has_pos=pos_s is not None, has_idx=has_idx)
    return pl.pallas_call(
        body,
        out_shape=jax.ShapeDtypeStruct((n, out_dim), jnp.float32),
        in_specs=in_specs,
        scratch_shapes=([pltpu.VMEM((n, src.shape[1]), jnp.float32)]
                        if has_idx else []),
    )(*args)



def _interp_mlp_body(*refs, final_head):
    qpos_ref, spos_t_ref, feats_ref, skip_ref = refs[:4]
    wrefs = refs[4:-1]
    out_ref = refs[-1]
    q = qpos_ref[...]
    st = spos_t_ref[...]
    S = st.shape[1]
    QB = q.shape[0]
    qs = jnp.dot(q, st, preferred_element_type=jnp.float32)
    q2 = jnp.sum(q * q, axis=1, keepdims=True)
    s2 = jnp.sum(st * st, axis=0, keepdims=True)
    d2 = jnp.maximum(q2 + s2 - 2.0 * qs, 0.0)
    jcol = lax.broadcasted_iota(jnp.int32, (QB, S), 1)
    inf = jnp.float32(jnp.inf)
    eps = jnp.float32(1e-16)

    m1 = jnp.min(d2, axis=1, keepdims=True)
    i1 = jnp.min(jnp.where(d2 == m1, jcol, S), axis=1, keepdims=True)
    d2a = jnp.where(jcol == i1, inf, d2)
    m2 = jnp.min(d2a, axis=1, keepdims=True)
    i2 = jnp.min(jnp.where(d2a == m2, jcol, S), axis=1, keepdims=True)
    d2b = jnp.where(jcol == i2, inf, d2a)
    m3 = jnp.min(d2b, axis=1, keepdims=True)
    i3 = jnp.min(jnp.where(d2b == m3, jcol, S), axis=1, keepdims=True)

    w1 = 1.0 / jnp.maximum(m1, eps)
    w2 = 1.0 / jnp.maximum(m2, eps)
    w3 = 1.0 / jnp.maximum(m3, eps)
    wmat = (jnp.where(jcol == i1, w1, 0.0)
            + jnp.where(jcol == i2, w2, 0.0)
            + jnp.where(jcol == i3, w3, 0.0))
    sumw = w1 + w2 + w3
    interp = jnp.dot(wmat, feats_ref[...], preferred_element_type=jnp.float32)
    interp = interp * (1.0 / sumw)

    wa, wb, b1 = wrefs[0][...], wrefs[1][...], wrefs[2][...]
    h = jnp.dot(interp, wa, preferred_element_type=jnp.float32)
    h = h + jnp.dot(skip_ref[...], wb, preferred_element_type=jnp.float32)
    h = jnp.maximum(h + b1, 0.0)
    wrefs = wrefs[3:]
    n_rest = len(wrefs) // 2
    for i in range(n_rest):
        w, b = wrefs[2 * i][...], wrefs[2 * i + 1][...]
        h = jnp.dot(h, w, preferred_element_type=jnp.float32) + b
        if i < n_rest - 1 or not final_head:
            h = jnp.maximum(h, 0.0)
    if final_head:
        h = jnp.maximum(h, 0.0) + jnp.log1p(jnp.exp(-jnp.abs(h)))
    out_ref[...] = h


def _interp_mlp(qpos, spos_t, feats, skip, weights, out_dim, qblock,
                final_head=False):
    NQ = qpos.shape[0]
    grid = NQ // qblock
    S = spos_t.shape[1]
    in_specs = [
        pl.BlockSpec((qblock, 3), lambda i: (i, 0)),
        pl.BlockSpec((3, S), lambda i: (0, 0)),
        pl.BlockSpec(feats.shape, lambda i: (0, 0)),
        pl.BlockSpec((qblock, skip.shape[1]), lambda i: (i, 0)),
    ]
    args = [qpos, spos_t, feats, skip]
    for w in weights:
        args.append(w)
        in_specs.append(pl.BlockSpec(w.shape, lambda i: (0, 0)))
    body = functools.partial(_interp_mlp_body, final_head=final_head)
    return pl.pallas_call(
        body,
        grid=(grid,),
        in_specs=in_specs,
        out_specs=pl.BlockSpec((qblock, out_dim), lambda i: (i, 0)),
        out_shape=jax.ShapeDtypeStruct((NQ, out_dim), jnp.float32),
    )(*args)



def _split_first(mlp_params, split):
    w1t = mlp_params[0][0].T
    out = [w1t[:split], w1t[split:], mlp_params[0][1].reshape(1, -1)]
    for (W, b) in mlp_params[1:]:
        out.append(W.T)
        out.append(b.reshape(1, -1))
    return out


def kernel(x, pos, batch, params):
    N = pos.shape[0]

    l1_pos, l1_idx = _fps(pos, N // 4)
    l2_pos, l2_idx = _fps(l1_pos, N // 16)
    l3_pos, l3_idx = _fps(l2_pos, N // 64)

    sa1_w = []
    for (W, b) in params['sa1']:
        sa1_w.append(W.T)
        sa1_w.append(b.reshape(1, -1))
    l1_x = _gather_mlp(l1_idx, x, None, sa1_w, 128)

    l2_xg = _sc_gather(l1_x, l2_idx)
    l2_x = _gather_mlp(None, l2_xg, l2_pos, _split_first(params['sa2'], 128), 256)
    l3_f = _gather_mlp(l3_idx, l2_x, l3_pos, _split_first(params['sa3'], 256), 1024)

    l2_fp = _interp_mlp(l2_pos, l3_pos.T, l3_f, l2_x,
                        _split_first(params['fp3'], 1024), 256, 512)
    l1_fp = _interp_mlp(l1_pos, l2_pos.T, l2_fp, l1_x,
                        _split_first(params['fp2'], 256), 128, 512)

    fp1_w = _split_first(params['fp1'], 128)
    for (W, b) in params['head']:
        fp1_w.append(W.T)
        fp1_w.append(b.reshape(1, -1))
    alpha = _interp_mlp(pos, l1_pos.T, l1_fp, x, fp1_w, 1, 512,
                        final_head=True)

    mean = alpha.reshape(1, 1, N)
    std = jnp.ones_like(mean) * 0.01
    return (mean, std)

# --- scband reference (transcript-rebuilt; emitter-appended) ---
"""Pipeline reference for scband-py-g-point-net2-alpha-predictor-1-24945170055430 (READ-ONLY COPY).

The authoritative reference and input builder live on the scoring server;
editing this copy changes nothing except your own understanding.
"""

import jax, jax.numpy as jnp
import numpy as np


def _lin_init(key, out_c, in_c):
    k1, k2 = jax.random.split(key)
    lim = 1.0 / np.sqrt(in_c)
    W = jax.random.uniform(k1, (out_c, in_c), minval=-lim, maxval=lim, dtype=jnp.float32)
    b = jax.random.uniform(k2, (out_c,), minval=-lim, maxval=lim, dtype=jnp.float32)
    return (W, b)


def _mlp_init(key, in_c, outs):
    keys = jax.random.split(key, len(outs))
    params = []
    for k, o in zip(keys, outs):
        params.append(_lin_init(k, o, in_c))
        in_c = o
    return params


def _mlp(params, x):
    n = len(params)
    for i, (W, b) in enumerate(params):
        x = x @ W.T + b
        if i < n - 1:
            x = jax.nn.relu(x)
    return x


def fps(pos, n_samples):
    # farthest point sampling, deterministic start at index 0 (PyG uses random start)
    pos = jax.lax.stop_gradient(pos)
    d = jnp.sum((pos - pos[0]) ** 2, axis=1)
    def step(d, _):
        nxt = jnp.argmax(d)
        nd = jnp.sum((pos - pos[nxt]) ** 2, axis=1)
        return jnp.minimum(d, nd), nxt
    _, idxs = jax.lax.scan(step, d, None, length=n_samples - 1)
    return jnp.concatenate([jnp.zeros((1,), dtype=idxs.dtype), idxs])


def knn_interpolate(x, pos_x, pos_y, k):
    # PyG knn_interpolate: inverse squared-distance weighted average of k nearest sources
    d2 = jnp.sum((pos_y[:, None, :] - pos_x[None, :, :]) ** 2, axis=-1)
    neg_d, idx = jax.lax.top_k(-d2, k)
    w = 1.0 / jnp.maximum(-neg_d, 1e-16)
    feats = x[idx]
    return jnp.sum(feats * w[..., None], axis=1) / jnp.sum(w, axis=1, keepdims=True)


def setup_inputs(seed: int = 0):
    key = jax.random.key(seed)
    ks = jax.random.split(key, 10)
    N = 8192
    x = jax.random.normal(ks[0], (N, 6), dtype=jnp.float32)
    pos = jax.random.normal(ks[1], (N, 3), dtype=jnp.float32)
    batch = jnp.zeros((N,), dtype=jnp.int32)
    params = {
        'sa1': _mlp_init(ks[2], 6, [64, 64, 128]),
        'sa2': _mlp_init(ks[3], 128 + 3, [128, 128, 256]),
        'sa3': _mlp_init(ks[4], 256 + 3, [256, 512, 1024]),
        'fp3': _mlp_init(ks[5], 1024 + 256, [256, 256]),
        'fp2': _mlp_init(ks[6], 256 + 128, [256, 128]),
        'fp1': _mlp_init(ks[7], 128 + 6, [128, 128, 128]),
        'head': _mlp_init(ks[8], 128, [64, 1]),
    }
    return {'x': x, 'pos': pos, 'batch': batch, 'params': params}


def reference(x, pos, batch, params):
    k = 3
    N = pos.shape[0]
    l1_idx = fps(pos, N // 4)
    l1_pos = pos[l1_idx]
    l1_x = jax.nn.relu(_mlp(params['sa1'], x[l1_idx]))
    l2_idx = fps(l1_pos, N // 16)
    l2_pos = l1_pos[l2_idx]
    l2_x = jax.nn.relu(_mlp(params['sa2'], jnp.concatenate([l1_x[l2_idx], l2_pos], axis=1)))
    l3_idx = fps(l2_pos, N // 64)
    l3_pos = l2_pos[l3_idx]
    l3_f = jax.nn.relu(_mlp(params['sa3'], jnp.concatenate([l2_x[l3_idx], l3_pos], axis=1)))
    l2_interp = knn_interpolate(l3_f, l3_pos, l2_pos, k)
    l2_fp = jax.nn.relu(_mlp(params['fp3'], jnp.concatenate([l2_interp, l2_x], axis=1)))
    l1_interp = knn_interpolate(l2_fp, l2_pos, l1_pos, k)
    l1_fp = jax.nn.relu(_mlp(params['fp2'], jnp.concatenate([l1_interp, l1_x], axis=1)))
    l0_interp = knn_interpolate(l1_fp, l1_pos, pos, k)
    l0_fp = jax.nn.relu(_mlp(params['fp1'], jnp.concatenate([l0_interp, x], axis=1)))
    alpha_mean = _mlp(params['head'], l0_fp)  # dropout = identity (eval mode)
    # to_dense_batch with all-zero batch ids -> [1, N, 1]; permute(0,2,1) -> [1, 1, N]
    dense = alpha_mean.reshape(1, N, 1).transpose(0, 2, 1)
    mean = jax.nn.softplus(dense)
    std = jnp.ones_like(mean) * 0.01
    return (mean, std)

if __name__ == "__main__":
    import jax
    _d = setup_inputs()
    print(jax.jit(kernel)(*tuple(_d.values())))

</pallas_src>

<mosaic_0001>
#map = affine_map<(d0, d1) -> (0, 0)>
#map1 = affine_map<(d0, d1) -> (0)>
module attributes {stable_mosaic.version = 14 : i64} {
  func.func @k(%arg0: i32, %arg1: i32, %arg2: memref<2048x128xf32, #tpu.memory_space<hbm>>, %arg3: memref<512xi32, #tpu.memory_space<hbm>>, %arg4: memref<512x128xf32, #tpu.memory_space<hbm>>, %arg5: memref<16xi32, #tpu.memory_space<vmem>>, %arg6: memref<16x128xf32, #tpu.memory_space<vmem>>, %arg7: memref<!tpu.dma_semaphore, #tpu.memory_space<semaphore_mem>>) attributes {dimension_semantics = [#tpu.dimension_semantics<core_parallel>, #tpu.dimension_semantics<subcore_parallel>], iteration_bounds = array<i64: 2, 16>, scalar_prefetch = 0 : i64, scratch_operands = 3 : i64, tpu.core_type = #tpu.core_type<sc_vector_subcore>, window_params = [{transform_indices = #map}, {transform_indices = #map1}, {transform_indices = #map}]} {
    %mul3A = arith.constant 2 : i32
    %mul3A_0 = arith.muli %arg1, %mul3A : i32
    %add3A = arith.addi %mul3A_0, %arg0 : i32
    %mul3A_1 = arith.constant 16 : i32
    %mul3A_2 = arith.muli %add3A, %mul3A_1 : i32
    "tpu.region"() ({
      %run_scoped3A = tpu.sem_alloc : memref<!tpu.dma_semaphore, #tpu.memory_space<semaphore_mem>>
      %dma_start3A_7 = tpu.memref_slice %arg3[%mul3A_2] : memref<512xi32, #tpu.memory_space<hbm>> -> memref<16xi32, #tpu.memory_space<hbm>>
      %dma_start3A_8 = tpu.memref_slice %arg3[%mul3A_2] : memref<512xi32, #tpu.memory_space<hbm>> -> memref<16xi32, #tpu.memory_space<hbm>>
      tpu.enqueue_dma source(%dma_start3A_8 : memref<16xi32, #tpu.memory_space<hbm>>) target(%arg5 : memref<16xi32, #tpu.memory_space<vmem>>) target_semaphore(%run_scoped3A : memref<!tpu.dma_semaphore, #tpu.memory_space<semaphore_mem>>)
      %dma_wait3A_9 = tpu.memref_slice %arg3[%mul3A_2] : memref<512xi32, #tpu.memory_space<hbm>> -> memref<16xi32, #tpu.memory_space<hbm>>
      %dma_wait3A_10 = tpu.memref_slice %arg3[%mul3A_2] : memref<512xi32, #tpu.memory_space<hbm>> -> memref<16xi32, #tpu.memory_space<hbm>>
      tpu.wait_dma2 semaphore(%run_scoped3A : memref<!tpu.dma_semaphore, #tpu.memory_space<semaphore_mem>>) src(%dma_wait3A_10 : memref<16xi32, #tpu.memory_space<hbm>>) dst(%arg5 : memref<16xi32, #tpu.memory_space<vmem>>)
      tpu.yield
    }) : () -> ()
    %dma_start3A = arith.constant 0 : i32
    %dma_start3A_3 = arith.constant 0 : i32
    %dma_start3A_4 = tpu.memref_slice %arg2[%dma_start3A, %dma_start3A_3] : memref<2048x128xf32, #tpu.memory_space<hbm>> -> memref<2048x128xf32, #tpu.memory_space<hbm>>
    tpu.enqueue_indirect_dma source(%dma_start3A_4 : memref<2048x128xf32, #tpu.memory_space<hbm>>) target(%arg6 : memref<16x128xf32, #tpu.memory_space<vmem>>) offsets(%arg5 : memref<16xi32, #tpu.memory_space<vmem>>) semaphore(%arg7 : memref<!tpu.dma_semaphore, #tpu.memory_space<semaphore_mem>>)
    %dma_wait3A = arith.constant 0 : i32
    %dma_wait3A_5 = arith.constant 0 : i32
    %dma_wait3A_6 = tpu.memref_slice %arg2[%dma_wait3A, %dma_wait3A_5] : memref<2048x128xf32, #tpu.memory_space<hbm>> -> memref<2048x128xf32, #tpu.memory_space<hbm>>
    tpu.wait_indirect_dma semaphore(%arg7 : memref<!tpu.dma_semaphore, #tpu.memory_space<semaphore_mem>>) src(%dma_wait3A_6 : memref<2048x128xf32, #tpu.memory_space<hbm>>) dst(%arg6 : memref<16x128xf32, #tpu.memory_space<vmem>>)
    "tpu.region"() ({
      %run_scoped3A = tpu.sem_alloc : memref<!tpu.dma_semaphore, #tpu.memory_space<semaphore_mem>>
      %dma_start3A_7 = arith.constant 0 : i32
      %dma_start3A_8 = tpu.memref_slice %arg4[%mul3A_2, %dma_start3A_7] : memref<512x128xf32, #tpu.memory_space<hbm>> -> memref<16x128xf32, #tpu.memory_space<hbm>>
      %dma_start3A_9 = arith.constant 0 : i32
      %dma_start3A_10 = tpu.memref_slice %arg4[%mul3A_2, %dma_start3A_9] : memref<512x128xf32, #tpu.memory_space<hbm>> -> memref<16x128xf32, #tpu.memory_space<hbm>>
      tpu.enqueue_dma source(%arg6 : memref<16x128xf32, #tpu.memory_space<vmem>>) target(%dma_start3A_10 : memref<16x128xf32, #tpu.memory_space<hbm>>) target_semaphore(%run_scoped3A : memref<!tpu.dma_semaphore, #tpu.memory_space<semaphore_mem>>)
      %dma_wait3A_11 = arith.constant 0 : i32
      %dma_wait3A_12 = tpu.memref_slice %arg4[%mul3A_2, %dma_wait3A_11] : memref<512x128xf32, #tpu.memory_space<hbm>> -> memref<16x128xf32, #tpu.memory_space<hbm>>
      %dma_wait3A_13 = arith.constant 0 : i32
      %dma_wait3A_14 = tpu.memref_slice %arg4[%mul3A_2, %dma_wait3A_13] : memref<512x128xf32, #tpu.memory_space<hbm>> -> memref<16x128xf32, #tpu.memory_space<hbm>>
      tpu.wait_dma2 semaphore(%run_scoped3A : memref<!tpu.dma_semaphore, #tpu.memory_space<semaphore_mem>>) src(%arg6 : memref<16x128xf32, #tpu.memory_space<vmem>>) dst(%dma_wait3A_14 : memref<16x128xf32, #tpu.memory_space<hbm>>)
      tpu.yield
    }) : () -> ()
    return
  }
}

module attributes {stable_mosaic.version = 14 : i64} {
  func.func @_fps_body(%arg0: memref<3x8x1024xf32, #tpu.memory_space<vmem>>, %arg1: memref<3x8192xf32, #tpu.memory_space<smem>>, %arg2: memref<2048x3xf32, #tpu.memory_space<vmem>>, %arg3: memref<2048x1xi32, #tpu.memory_space<vmem>>) attributes {dimension_semantics = [], scalar_prefetch = 0 : i64, scratch_operands = 0 : i64, tpu.core_type = #tpu.core_type<tc>} {
    %get3A = arith.constant 0 : index
    %get3A_0 = arith.constant 0 : index
    %get3A_1 = arith.constant 0 : index
    %get3A_2 = vector.load %arg0[%get3A, %get3A_0, %get3A_1] : memref<3x8x1024xf32, #tpu.memory_space<vmem>>, vector<1x8x1024xf32>
    %get3A_3 = vector.shape_cast %get3A_2 : vector<1x8x1024xf32> to vector<8x1024xf32>
    %get3A_4 = arith.constant 1 : index
    %get3A_5 = arith.constant 0 : index
    %get3A_6 = arith.constant 0 : index
    %get3A_7 = vector.load %arg0[%get3A_4, %get3A_5, %get3A_6] : memref<3x8x1024xf32, #tpu.memory_space<vmem>>, vector<1x8x1024xf32>
    %get3A_8 = vector.shape_cast %get3A_7 : vector<1x8x1024xf32> to vector<8x1024xf32>
    %get3A_9 = arith.constant 2 : index
    %get3A_10 = arith.constant 0 : index
    %get3A_11 = arith.constant 0 : index
    %get3A_12 = vector.load %arg0[%get3A_9, %get3A_10, %get3A_11] : memref<3x8x1024xf32, #tpu.memory_space<vmem>>, vector<1x8x1024xf32>
    %get3A_13 = vector.shape_cast %get3A_12 : vector<1x8x1024xf32> to vector<8x1024xf32>
    %iota3A = tpu.iota {dimensions = array<i32: 0>} : vector<8x1024xi32>
    %iota3A_14 = tpu.iota {dimensions = array<i32: 1>} : vector<8x1024xi32>
    %mul3A = arith.constant 1024 : i32
    %mul3A_15 = vector.broadcast %mul3A : i32 to vector<8x1024xi32>
    %mul3A_16 = arith.muli %iota3A, %mul3A_15 : vector<8x1024xi32>
    %add3A = arith.addi %mul3A_16, %iota3A_14 : vector<8x1024xi32>
    %convert_element_type3A = arith.sitofp %add3A : vector<8x1024xi32> to vector<8x1024xf32>
    %get3A_17 = arith.constant 0 : index
    %get3A_18 = arith.constant 0 : index
    %get3A_19 = memref.load %arg1[%get3A_17, %get3A_18] : memref<3x8192xf32, #tpu.memory_space<smem>>
    %get3A_20 = arith.constant 1 : index
    %get3A_21 = arith.constant 0 : index
    %get3A_22 = memref.load %arg1[%get3A_20, %get3A_21] : memref<3x8192xf32, #tpu.memory_space<smem>>
    %get3A_23 = arith.constant 2 : index
    %get3A_24 = arith.constant 0 : index
    %get3A_25 = memref.load %arg1[%get3A_23, %get3A_24] : memref<3x8192xf32, #tpu.memory_space<smem>>
    %broadcast_in_dim3A = vector.broadcast %get3A_19 : f32 to vector<1x1xf32>
    %swap3A = arith.constant 0 : index
    %swap3A_26 = arith.constant 0 : index
    %swap3A_27 = vector.load %arg2[%swap3A, %swap3A_26] : memref<2048x3xf32, #tpu.memory_space<vmem>>, vector<1x1xf32>
    tpu.vector_store %arg2[%swap3A, %swap3A_26], %broadcast_in_dim3A {strides = array<i32>} : memref<2048x3xf32, #tpu.memory_space<vmem>>, vector<1x1xf32>,
    %broadcast_in_dim3A_28 = vector.broadcast %get3A_22 : f32 to vector<1x1xf32>
    %swap3A_29 = arith.constant 0 : index
    %swap3A_30 = arith.constant 1 : index
    %swap3A_31 = vector.load %arg2[%swap3A_29, %swap3A_30] : memref<2048x3xf32, #tpu.memory_space<vmem>>, vector<1x1xf32>
    tpu.vector_store %arg2[%swap3A_29, %swap3A_30], %broadcast_in_dim3A_28 {strides = array<i32>} : memref<2048x3xf32, #tpu.memory_space<vmem>>, vector<1x1xf32>,
    %broadcast_in_dim3A_32 = vector.broadcast %get3A_25 : f32 to vector<1x1xf32>
    %swap3A_33 = arith.constant 0 : index
    %swap3A_34 = arith.constant 2 : index
    %swap3A_35 = vector.load %arg2[%swap3A_33, %swap3A_34] : memref<2048x3xf32, #tpu.memory_space<vmem>>, vector<1x1xf32>
    tpu.vector_store %arg2[%swap3A_33, %swap3A_34], %broadcast_in_dim3A_32 {strides = array<i32>} : memref<2048x3xf32, #tpu.memory_space<vmem>>, vector<1x1xf32>,
    %broadcast_in_dim3A_36 = arith.constant 0 : i32
    %broadcast_in_dim3A_37 = vector.broadcast %broadcast_in_dim3A_36 : i32 to vector<1x1xi32>
    %swap3A_38 = arith.constant 0 : index
    %swap3A_39 = arith.constant 0 : index
    %swap3A_40 = vector.load %arg3[%swap3A_38, %swap3A_39] : memref<2048x1xi32, #tpu.memory_space<vmem>>, vector<1x1xi32>
    tpu.vector_store %arg3[%swap3A_38, %swap3A_39], %broadcast_in_dim3A_37 {strides = array<i32>} : memref<2048x1xi32, #tpu.memory_space<vmem>>, vector<1x1xi32>,
    %sub3A = vector.broadcast %get3A_19 : f32 to vector<8x1024xf32>
    %sub3A_41 = arith.subf %get3A_3, %sub3A : vector<8x1024xf32>
    %integer_pow3A = arith.mulf %sub3A_41, %sub3A_41 : vector<8x1024xf32>
    %sub3A_42 = vector.broadcast %get3A_22 : f32 to vector<8x1024xf32>
    %sub3A_43 = arith.subf %get3A_8, %sub3A_42 : vector<8x1024xf32>
    %integer_pow3A_44 = arith.mulf %sub3A_43, %sub3A_43 : vector<8x1024xf32>
    %add3A_45 = arith.addf %integer_pow3A, %integer_pow3A_44 : vector<8x1024xf32>
    %sub3A_46 = vector.broadcast %get3A_25 : f32 to vector<8x1024xf32>
    %sub3A_47 = arith.subf %get3A_13, %sub3A_46 : vector<8x1024xf32>
    %integer_pow3A_48 = arith.mulf %sub3A_47, %sub3A_47 : vector<8x1024xf32>
    %add3A_49 = arith.addf %add3A_45, %integer_pow3A_48 : vector<8x1024xf32>
    %scan3A = arith.constant 1.000000e+30 : f32
    %scan3A_50 = arith.constant 1 : i32
    %scan3A_51 = arith.constant 2047 : i32
    %scan3A_52 = arith.addi %scan3A_50, %scan3A_51 : i32
    %scan3A_53 = arith.constant 1 : i32
    %scan3A_54 = scf.for %scan3A_56 = %scan3A_50 to %scan3A_52 step %scan3A_53 iter_args(%scan3A_57 = %add3A_49) -> (vector<8x1024xf32>)  : i32 {
      %reduce_max3A = vector.shape_cast %scan3A_57 : vector<8x1024xf32> to vector<1x8x1024xf32>
      %reduce_max3A_58 = arith.constant dense<0xFF800000> : vector<1xf32>
      %reduce_max3A_59 = vector.multi_reduction <maximumf>, %reduce_max3A, %reduce_max3A_58 [1, 2] : vector<1x8x1024xf32> to vector<1xf32>
      %reduce_max3A_60 = vector.shape_cast %reduce_max3A_59 : vector<1xf32> to vector<1x1x1xf32>
      %reduce_max3A_61 = vector.extract %reduce_max3A_60[0, 0, 0] : f32 from vector<1x1x1xf32>
      %eq3A = vector.broadcast %reduce_max3A_61 : f32 to vector<8x1024xf32>
      %eq3A_62 = arith.cmpf oeq, %scan3A_57, %eq3A : vector<8x1024xf32>
      %broadcast_in_dim3A_63 = vector.broadcast %scan3A : f32 to vector<8x1024xf32>
      %select_n3A = arith.select %eq3A_62, %convert_element_type3A, %broadcast_in_dim3A_63 : vector<8x1024xi1>, vector<8x1024xf32>
      %reduce_min3A = vector.shape_cast %select_n3A : vector<8x1024xf32> to vector<1x8x1024xf32>
      %reduce_min3A_64 = arith.constant dense<0x7F800000> : vector<1xf32>
      %reduce_min3A_65 = vector.multi_reduction <minimumf>, %reduce_min3A, %reduce_min3A_64 [1, 2] : vector<1x8x1024xf32> to vector<1xf32>
      %reduce_min3A_66 = vector.shape_cast %reduce_min3A_65 : vector<1xf32> to vector<1x1x1xf32>
      %reduce_min3A_67 = vector.extract %reduce_min3A_66[0, 0, 0] : f32 from vector<1x1x1xf32>
      %convert_element_type3A_68 = arith.fptosi %reduce_min3A_67 : f32 to i32
      %get3A_69 = arith.constant 0 : index
      %get3A_70 = arith.index_cast %convert_element_type3A_68 : i32 to index
      %get3A_71 = memref.load %arg1[%get3A_69, %get3A_70] : memref<3x8192xf32, #tpu.memory_space<smem>>
      %get3A_72 = arith.constant 1 : index
      %get3A_73 = arith.index_cast %convert_element_type3A_68 : i32 to index
      %get3A_74 = memref.load %arg1[%get3A_72, %get3A_73] : memref<3x8192xf32, #tpu.memory_space<smem>>
      %get3A_75 = arith.constant 2 : index
      %get3A_76 = arith.index_cast %convert_element_type3A_68 : i32 to index
      %get3A_77 = memref.load %arg1[%get3A_75, %get3A_76] : memref<3x8192xf32, #tpu.memory_space<smem>>
      %broadcast_in_dim3A_78 = vector.broadcast %get3A_71 : f32 to vector<1x1xf32>
      %swap3A_79 = arith.index_cast %scan3A_56 : i32 to index
      %swap3A_80 = arith.constant 0 : index
      %swap3A_81 = vector.load %arg2[%swap3A_79, %swap3A_80] : memref<2048x3xf32, #tpu.memory_space<vmem>>, vector<1x1xf32>
      tpu.vector_store %arg2[%swap3A_79, %swap3A_80], %broadcast_in_dim3A_78 {strides = array<i32>} : memref<2048x3xf32, #tpu.memory_space<vmem>>, vector<1x1xf32>,
      %broadcast_in_dim3A_82 = vector.broadcast %get3A_74 : f32 to vector<1x1xf32>
      %swap3A_83 = arith.index_cast %scan3A_56 : i32 to index
      %swap3A_84 = arith.constant 1 : index
      %swap3A_85 = vector.load %arg2[%swap3A_83, %swap3A_84] : memref<2048x3xf32, #tpu.memory_space<vmem>>, vector<1x1xf32>
      tpu.vector_store %arg2[%swap3A_83, %swap3A_84], %broadcast_in_dim3A_82 {strides = array<i32>} : memref<2048x3xf32, #tpu.memory_space<vmem>>, vector<1x1xf32>,
      %broadcast_in_dim3A_86 = vector.broadcast %get3A_77 : f32 to vector<1x1xf32>
      %swap3A_87 = arith.index_cast %scan3A_56 : i32 to index
      %swap3A_88 = arith.constant 2 : index
      %swap3A_89 = vector.load %arg2[%swap3A_87, %swap3A_88] : memref<2048x3xf32, #tpu.memory_space<vmem>>, vector<1x1xf32>
      tpu.vector_store %arg2[%swap3A_87, %swap3A_88], %broadcast_in_dim3A_86 {strides = array<i32>} : memref<2048x3xf32, #tpu.memory_space<vmem>>, vector<1x1xf32>,
      %broadcast_in_dim3A_90 = vector.broadcast %convert_element_type3A_68 : i32 to vector<1x1xi32>
      %swap3A_91 = arith.index_cast %scan3A_56 : i32 to index
      %swap3A_92 = arith.constant 0 : index
      %swap3A_93 = vector.load %arg3[%swap3A_91, %swap3A_92] : memref<2048x1xi32, #tpu.memory_space<vmem>>, vector<1x1xi32>
      tpu.vector_store %arg3[%swap3A_91, %swap3A_92], %broadcast_in_dim3A_90 {strides = array<i32>} : memref<2048x1xi32, #tpu.memory_space<vmem>>, vector<1x1xi32>,
      %sub3A_94 = vector.broadcast %get3A_71 : f32 to vector<8x1024xf32>
      %sub3A_95 = arith.subf %get3A_3, %sub3A_94 : vector<8x1024xf32>
      %integer_pow3A_96 = arith.mulf %sub3A_95, %sub3A_95 : vector<8x1024xf32>
      %sub3A_97 = vector.broadcast %get3A_74 : f32 to vector<8x1024xf32>
      %sub3A_98 = arith.subf %get3A_8, %sub3A_97 : vector<8x1024xf32>
      %integer_pow3A_99 = arith.mulf %sub3A_98, %sub3A_98 : vector<8x1024xf32>
      %add3A_100 = arith.addf %integer_pow3A_96, %integer_pow3A_99 : vector<8x1024xf32>
      %sub3A_101 = vector.broadcast %get3A_77 : f32 to vector<8x1024xf32>
      %sub3A_102 = arith.subf %get3A_13, %sub3A_101 : vector<8x1024xf32>
      %integer_pow3A_103 = arith.mulf %sub3A_102, %sub3A_102 : vector<8x1024xf32>
      %add3A_104 = arith.addf %add3A_100, %integer_pow3A_103 : vector<8x1024xf32>
      %min3A = arith.minimumf %scan3A_57, %add3A_104 : vector<8x1024xf32>
      scf.yield %min3A : vector<8x1024xf32>
    }
    %scan3A_55 = arith.constant 2047 : i32
    return
  }
}

module attributes {stable_mosaic.version = 14 : i64} {
  func.func @_fps_body(%arg0: memref<3x8x256xf32, #tpu.memory_space<vmem>>, %arg1: memref<3x2048xf32, #tpu.memory_space<smem>>, %arg2: memref<512x3xf32, #tpu.memory_space<vmem>>, %arg3: memref<512x1xi32, #tpu.memory_space<vmem>>) attributes {dimension_semantics = [], scalar_prefetch = 0 : i64, scratch_operands = 0 : i64, tpu.core_type = #tpu.core_type<tc>} {
    %get3A = arith.constant 0 : index
    %get3A_0 = arith.constant 0 : index
    %get3A_1 = arith.constant 0 : index
    %get3A_2 = vector.load %arg0[%get3A, %get3A_0, %get3A_1] : memref<3x8x256xf32, #tpu.memory_space<vmem>>, vector<1x8x256xf32>
    %get3A_3 = vector.shape_cast %get3A_2 : vector<1x8x256xf32> to vector<8x256xf32>
    %get3A_4 = arith.constant 1 : index
    %get3A_5 = arith.constant 0 : index
    %get3A_6 = arith.constant 0 : index
    %get3A_7 = vector.load %arg0[%get3A_4, %get3A_5, %get3A_6] : memref<3x8x256xf32, #tpu.memory_space<vmem>>, vector<1x8x256xf32>
    %get3A_8 = vector.shape_cast %get3A_7 : vector<1x8x256xf32> to vector<8x256xf32>
    %get3A_9 = arith.constant 2 : index
    %get3A_10 = arith.constant 0 : index
    %get3A_11 = arith.constant 0 : index
    %get3A_12 = vector.load %arg0[%get3A_9, %get3A_10, %get3A_11] : memref<3x8x256xf32, #tpu.memory_space<vmem>>, vector<1x8x256xf32>
    %get3A_13 = vector.shape_cast %get3A_12 : vector<1x8x256xf32> to vector<8x256xf32>
    %iota3A = tpu.iota {dimensions = array<i32: 0>} : vector<8x256xi32>
    %iota3A_14 = tpu.iota {dimensions = array<i32: 1>} : vector<8x256xi32>
    %mul3A = arith.constant 256 : i32
    %mul3A_15 = vector.broadcast %mul3A : i32 to vector<8x256xi32>
    %mul3A_16 = arith.muli %iota3A, %mul3A_15 : vector<8x256xi32>
    %add3A = arith.addi %mul3A_16, %iota3A_14 : vector<8x256xi32>
    %convert_element_type3A = arith.sitofp %add3A : vector<8x256xi32> to vector<8x256xf32>
    %get3A_17 = arith.constant 0 : index
    %get3A_18 = arith.constant 0 : index
    %get3A_19 = memref.load %arg1[%get3A_17, %get3A_18] : memref<3x2048xf32, #tpu.memory_space<smem>>
    %get3A_20 = arith.constant 1 : index
    %get3A_21 = arith.constant 0 : index
    %get3A_22 = memref.load %arg1[%get3A_20, %get3A_21] : memref<3x2048xf32, #tpu.memory_space<smem>>
    %get3A_23 = arith.constant 2 : index
    %get3A_24 = arith.constant 0 : index
    %get3A_25 = memref.load %arg1[%get3A_23, %get3A_24] : memref<3x2048xf32, #tpu.memory_space<smem>>
    %broadcast_in_dim3A = vector.broadcast %get3A_19 : f32 to vector<1x1xf32>
    %swap3A = arith.constant 0 : index
    %swap3A_26 = arith.constant 0 : index
    %swap3A_27 = vector.load %arg2[%swap3A, %swap3A_26] : memref<512x3xf32, #tpu.memory_space<vmem>>, vector<1x1xf32>
    tpu.vector_store %arg2[%swap3A, %swap3A_26], %broadcast_in_dim3A {strides = array<i32>} : memref<512x3xf32, #tpu.memory_space<vmem>>, vector<1x1xf32>,
    %broadcast_in_dim3A_28 = vector.broadcast %get3A_22 : f32 to vector<1x1xf32>
    %swap3A_29 = arith.constant 0 : index
    %swap3A_30 = arith.constant 1 : index
    %swap3A_31 = vector.load %arg2[%swap3A_29, %swap3A_30] : memref<512x3xf32, #tpu.memory_space<vmem>>, vector<1x1xf32>
    tpu.vector_store %arg2[%swap3A_29, %swap3A_30], %broadcast_in_dim3A_28 {strides = array<i32>} : memref<512x3xf32, #tpu.memory_space<vmem>>, vector<1x1xf32>,
    %broadcast_in_dim3A_32 = vector.broadcast %get3A_25 : f32 to vector<1x1xf32>
    %swap3A_33 = arith.constant 0 : index
    %swap3A_34 = arith.constant 2 : index
    %swap3A_35 = vector.load %arg2[%swap3A_33, %swap3A_34] : memref<512x3xf32, #tpu.memory_space<vmem>>, vector<1x1xf32>
    tpu.vector_store %arg2[%swap3A_33, %swap3A_34], %broadcast_in_dim3A_32 {strides = array<i32>} : memref<512x3xf32, #tpu.memory_space<vmem>>, vector<1x1xf32>,
    %broadcast_in_dim3A_36 = arith.constant 0 : i32
    %broadcast_in_dim3A_37 = vector.broadcast %broadcast_in_dim3A_36 : i32 to vector<1x1xi32>
    %swap3A_38 = arith.constant 0 : index
    %swap3A_39 = arith.constant 0 : index
    %swap3A_40 = vector.load %arg3[%swap3A_38, %swap3A_39] : memref<512x1xi32, #tpu.memory_space<vmem>>, vector<1x1xi32>
    tpu.vector_store %arg3[%swap3A_38, %swap3A_39], %broadcast_in_dim3A_37 {strides = array<i32>} : memref<512x1xi32, #tpu.memory_space<vmem>>, vector<1x1xi32>,
    %sub3A = vector.broadcast %get3A_19 : f32 to vector<8x256xf32>
    %sub3A_41 = arith.subf %get3A_3, %sub3A : vector<8x256xf32>
    %integer_pow3A = arith.mulf %sub3A_41, %sub3A_41 : vector<8x256xf32>
    %sub3A_42 = vector.broadcast %get3A_22 : f32 to vector<8x256xf32>
    %sub3A_43 = arith.subf %get3A_8, %sub3A_42 : vector<8x256xf32>
    %integer_pow3A_44 = arith.mulf %sub3A_43, %sub3A_43 : vector<8x256xf32>
    %add3A_45 = arith.addf %integer_pow3A, %integer_pow3A_44 : vector<8x256xf32>
    %sub3A_46 = vector.broadcast %get3A_25 : f32 to vector<8x256xf32>
    %sub3A_47 = arith.subf %get3A_13, %sub3A_46 : vector<8x256xf32>
    %integer_pow3A_48 = arith.mulf %sub3A_47, %sub3A_47 : vector<8x256xf32>
    %add3A_49 = arith.addf %add3A_45, %integer_pow3A_48 : vector<8x256xf32>
    %scan3A = arith.constant 1.000000e+30 : f32
    %scan3A_50 = arith.constant 1 : i32
    %scan3A_51 = arith.constant 511 : i32
    %scan3A_52 = arith.addi %scan3A_50, %scan3A_51 : i32
    %scan3A_53 = arith.constant 1 : i32
    %scan3A_54 = scf.for %scan3A_56 = %scan3A_50 to %scan3A_52 step %scan3A_53 iter_args(%scan3A_57 = %add3A_49) -> (vector<8x256xf32>)  : i32 {
      %reduce_max3A = vector.shape_cast %scan3A_57 : vector<8x256xf32> to vector<1x8x256xf32>
      %reduce_max3A_58 = arith.constant dense<0xFF800000> : vector<1xf32>
      %reduce_max3A_59 = vector.multi_reduction <maximumf>, %reduce_max3A, %reduce_max3A_58 [1, 2] : vector<1x8x256xf32> to vector<1xf32>
      %reduce_max3A_60 = vector.shape_cast %reduce_max3A_59 : vector<1xf32> to vector<1x1x1xf32>
      %reduce_max3A_61 = vector.extract %reduce_max3A_60[0, 0, 0] : f32 from vector<1x1x1xf32>
      %eq3A = vector.broadcast %reduce_max3A_61 : f32 to vector<8x256xf32>
      %eq3A_62 = arith.cmpf oeq, %scan3A_57, %eq3A : vector<8x256xf32>
      %broadcast_in_dim3A_63 = vector.broadcast %scan3A : f32 to vector<8x256xf32>
      %select_n3A = arith.select %eq3A_62, %convert_element_type3A, %broadcast_in_dim3A_63 : vector<8x256xi1>, vector<8x256xf32>
      %reduce_min3A = vector.shape_cast %select_n3A : vector<8x256xf32> to vector<1x8x256xf32>
      %reduce_min3A_64 = arith.constant dense<0x7F800000> : vector<1xf32>
      %reduce_min3A_65 = vector.multi_reduction <minimumf>, %reduce_min3A, %reduce_min3A_64 [1, 2] : vector<1x8x256xf32> to vector<1xf32>
      %reduce_min3A_66 = vector.shape_cast %reduce_min3A_65 : vector<1xf32> to vector<1x1x1xf32>
      %reduce_min3A_67 = vector.extract %reduce_min3A_66[0, 0, 0] : f32 from vector<1x1x1xf32>
      %convert_element_type3A_68 = arith.fptosi %reduce_min3A_67 : f32 to i32
      %get3A_69 = arith.constant 0 : index
      %get3A_70 = arith.index_cast %convert_element_type3A_68 : i32 to index
      %get3A_71 = memref.load %arg1[%get3A_69, %get3A_70] : memref<3x2048xf32, #tpu.memory_space<smem>>
      %get3A_72 = arith.constant 1 : index
      %get3A_73 = arith.index_cast %convert_element_type3A_68 : i32 to index
      %get3A_74 = memref.load %arg1[%get3A_72, %get3A_73] : memref<3x2048xf32, #tpu.memory_space<smem>>
      %get3A_75 = arith.constant 2 : index
      %get3A_76 = arith.index_cast %convert_element_type3A_68 : i32 to index
      %get3A_77 = memref.load %arg1[%get3A_75, %get3A_76] : memref<3x2048xf32, #tpu.memory_space<smem>>
      %broadcast_in_dim3A_78 = vector.broadcast %get3A_71 : f32 to vector<1x1xf32>
      %swap3A_79 = arith.index_cast %scan3A_56 : i32 to index
      %swap3A_80 = arith.constant 0 : index
      %swap3A_81 = vector.load %arg2[%swap3A_79, %swap3A_80] : memref<512x3xf32, #tpu.memory_space<vmem>>, vector<1x1xf32>
      tpu.vector_store %arg2[%swap3A_79, %swap3A_80], %broadcast_in_dim3A_78 {strides = array<i32>} : memref<512x3xf32, #tpu.memory_space<vmem>>, vector<1x1xf32>,
      %broadcast_in_dim3A_82 = vector.broadcast %get3A_74 : f32 to vector<1x1xf32>
      %swap3A_83 = arith.index_cast %scan3A_56 : i32 to index
      %swap3A_84 = arith.constant 1 : index
      %swap3A_85 = vector.load %arg2[%swap3A_83, %swap3A_84] : memref<512x3xf32, #tpu.memory_space<vmem>>, vector<1x1xf32>
      tpu.vector_store %arg2[%swap3A_83, %swap3A_84], %broadcast_in_dim3A_82 {strides = array<i32>} : memref<512x3xf32, #tpu.memory_space<vmem>>, vector<1x1xf32>,
      %broadcast_in_dim3A_86 = vector.broadcast %get3A_77 : f32 to vector<1x1xf32>
      %swap3A_87 = arith.index_cast %scan3A_56 : i32 to index
      %swap3A_88 = arith.constant 2 : index
      %swap3A_89 = vector.load %arg2[%swap3A_87, %swap3A_88] : memref<512x3xf32, #tpu.memory_space<vmem>>, vector<1x1xf32>
      tpu.vector_store %arg2[%swap3A_87, %swap3A_88], %broadcast_in_dim3A_86 {strides = array<i32>} : memref<512x3xf32, #tpu.memory_space<vmem>>, vector<1x1xf32>,
      %broadcast_in_dim3A_90 = vector.broadcast %convert_element_type3A_68 : i32 to vector<1x1xi32>
      %swap3A_91 = arith.index_cast %scan3A_56 : i32 to index
      %swap3A_92 = arith.constant 0 : index
      %swap3A_93 = vector.load %arg3[%swap3A_91, %swap3A_92] : memref<512x1xi32, #tpu.memory_space<vmem>>, vector<1x1xi32>
      tpu.vector_store %arg3[%swap3A_91, %swap3A_92], %broadcast_in_dim3A_90 {strides = array<i32>} : memref<512x1xi32, #tpu.memory_space<vmem>>, vector<1x1xi32>,
      %sub3A_94 = vector.broadcast %get3A_71 : f32 to vector<8x256xf32>
      %sub3A_95 = arith.subf %get3A_3, %sub3A_94 : vector<8x256xf32>
      %integer_pow3A_96 = arith.mulf %sub3A_95, %sub3A_95 : vector<8x256xf32>
      %sub3A_97 = vector.broadcast %get3A_74 : f32 to vector<8x256xf32>
      %sub3A_98 = arith.subf %get3A_8, %sub3A_97 : vector<8x256xf32>
      %integer_pow3A_99 = arith.mulf %sub3A_98, %sub3A_98 : vector<8x256xf32>
      %add3A_100 = arith.addf %integer_pow3A_96, %integer_pow3A_99 : vector<8x256xf32>
      %sub3A_101 = vector.broadcast %get3A_77 : f32 to vector<8x256xf32>
      %sub3A_102 = arith.subf %get3A_13, %sub3A_101 : vector<8x256xf32>
      %integer_pow3A_103 = arith.mulf %sub3A_102, %sub3A_102 : vector<8x256xf32>
      %add3A_104 = arith.addf %add3A_100, %integer_pow3A_103 : vector<8x256xf32>
      %min3A = arith.minimumf %scan3A_57, %add3A_104 : vector<8x256xf32>
      scf.yield %min3A : vector<8x256xf32>
    }
    %scan3A_55 = arith.constant 511 : i32
    return
  }
}

module attributes {stable_mosaic.version = 14 : i64} {
  func.func @_gather_mlp_body(%arg0: memref<2048xi32, #tpu.memory_space<smem>>, %arg1: memref<8192x6xf32, #tpu.memory_space<vmem>>, %arg2: memref<6x64xf32, #tpu.memory_space<vmem>>, %arg3: memref<1x64xf32, #tpu.memory_space<vmem>>, %arg4: memref<64x64xf32, #tpu.memory_space<vmem>>, %arg5: memref<1x64xf32, #tpu.memory_space<vmem>>, %arg6: memref<64x128xf32, #tpu.memory_space<vmem>>, %arg7: memref<1x128xf32, #tpu.memory_space<vmem>>, %arg8: memref<2048x128xf32, #tpu.memory_space<vmem>>, %arg9: memref<2048x6xf32, #tpu.memory_space<vmem>>) attributes {dimension_semantics = [], scalar_prefetch = 0 : i64, scratch_operands = 1 : i64, tpu.core_type = #tpu.core_type<tc>} {
    %scan3A = arith.constant 0 : i32
    %scan3A_0 = arith.constant 2048 : i32
    %scan3A_1 = arith.addi %scan3A, %scan3A_0 : i32
    %scan3A_2 = arith.constant 1 : i32
    scf.for %scan3A_44 = %scan3A to %scan3A_1 step %scan3A_2  : i32 {
      %get3A_45 = arith.index_cast %scan3A_44 : i32 to index
      %get3A_46 = memref.load %arg0[%get3A_45] : memref<2048xi32, #tpu.memory_space<smem>>
      %get3A_47 = arith.index_cast %get3A_46 : i32 to index
      %get3A_48 = arith.constant 0 : index
      %get3A_49 = vector.load %arg1[%get3A_47, %get3A_48] : memref<8192x6xf32, #tpu.memory_space<vmem>>, vector<1x6xf32>
      %swap3A_50 = arith.index_cast %scan3A_44 : i32 to index
      %swap3A_51 = arith.constant 0 : index
      %swap3A_52 = vector.load %arg9[%swap3A_50, %swap3A_51] : memref<2048x6xf32, #tpu.memory_space<vmem>>, vector<1x6xf32>
      tpu.vector_store %arg9[%swap3A_50, %swap3A_51], %get3A_49 {strides = array<i32>} : memref<2048x6xf32, #tpu.memory_space<vmem>>, vector<1x6xf32>,
    }
    %scan3A_3 = arith.constant 2048 : i32
    %get3A = arith.constant 0 : index
    %get3A_4 = arith.constant 0 : index
    %get3A_5 = vector.load %arg9[%get3A, %get3A_4] : memref<2048x6xf32, #tpu.memory_space<vmem>>, vector<2048x6xf32>
    %get3A_6 = arith.constant 0 : index
    %get3A_7 = arith.constant 0 : index
    %get3A_8 = vector.load %arg2[%get3A_6, %get3A_7] : memref<6x64xf32, #tpu.memory_space<vmem>>, vector<6x64xf32>
    %get3A_9 = arith.constant 0 : index
    %get3A_10 = arith.constant 0 : index
    %get3A_11 = vector.load %arg3[%get3A_9, %get3A_10] : memref<1x64xf32, #tpu.memory_space<vmem>>, vector<1x64xf32>
    %dot_general3A = arith.constant dense<0.000000e+00> : vector<2048x64xf32>
    %dot_general3A_12 = tpu.matmul %get3A_5, %get3A_8, %dot_general3A {dimension_numbers = #tpu.dot_dimension_numbers<[1], [0], [0], [1], [0, 0, 1, 1], [], []>, transpose_lhs_hint = false} : vector<2048x6xf32>, vector<6x64xf32>, vector<2048x64xf32> -> vector<2048x64xf32>
    %add3A = vector.broadcast %get3A_11 : vector<1x64xf32> to vector<2048x64xf32>
    %add3A_13 = arith.addf %dot_general3A_12, %add3A : vector<2048x64xf32>
    %max3A = arith.constant 0.000000e+00 : f32
    %max3A_14 = vector.broadcast %max3A : f32 to vector<2048x64xf32>
    %max3A_15 = arith.maximumf %add3A_13, %max3A_14 : vector<2048x64xf32>
    %get3A_16 = arith.constant 0 : index
    %get3A_17 = arith.constant 0 : index
    %get3A_18 = vector.load %arg4[%get3A_16, %get3A_17] : memref<64x64xf32, #tpu.memory_space<vmem>>, vector<64x64xf32>
    %get3A_19 = arith.constant 0 : index
    %get3A_20 = arith.constant 0 : index
    %get3A_21 = vector.load %arg5[%get3A_19, %get3A_20] : memref<1x64xf32, #tpu.memory_space<vmem>>, vector<1x64xf32>
    %dot_general3A_22 = arith.constant dense<0.000000e+00> : vector<2048x64xf32>
    %dot_general3A_23 = tpu.matmul %max3A_15, %get3A_18, %dot_general3A_22 {dimension_numbers = #tpu.dot_dimension_numbers<[1], [0], [0], [1], [0, 0, 1, 1], [], []>, transpose_lhs_hint = false} : vector<2048x64xf32>, vector<64x64xf32>, vector<2048x64xf32> -> vector<2048x64xf32>
    %add3A_24 = vector.broadcast %get3A_21 : vector<1x64xf32> to vector<2048x64xf32>
    %add3A_25 = arith.addf %dot_general3A_23, %add3A_24 : vector<2048x64xf32>
    %max3A_26 = arith.constant 0.000000e+00 : f32
    %max3A_27 = vector.broadcast %max3A_26 : f32 to vector<2048x64xf32>
    %max3A_28 = arith.maximumf %add3A_25, %max3A_27 : vector<2048x64xf32>
    %get3A_29 = arith.constant 0 : index
    %get3A_30 = arith.constant 0 : index
    %get3A_31 = vector.load %arg6[%get3A_29, %get3A_30] : memref<64x128xf32, #tpu.memory_space<vmem>>, vector<64x128xf32>
    %get3A_32 = arith.constant 0 : index
    %get3A_33 = arith.constant 0 : index
    %get3A_34 = vector.load %arg7[%get3A_32, %get3A_33] : memref<1x128xf32, #tpu.memory_space<vmem>>, vector<1x128xf32>
    %dot_general3A_35 = arith.constant dense<0.000000e+00> : vector<2048x128xf32>
    %dot_general3A_36 = tpu.matmul %max3A_28, %get3A_31, %dot_general3A_35 {dimension_numbers = #tpu.dot_dimension_numbers<[1], [0], [0], [1], [0, 0, 1, 1], [], []>, transpose_lhs_hint = false} : vector<2048x64xf32>, vector<64x128xf32>, vector<2048x128xf32> -> vector<2048x128xf32>
    %add3A_37 = vector.broadcast %get3A_34 : vector<1x128xf32> to vector<2048x128xf32>
    %add3A_38 = arith.addf %dot_general3A_36, %add3A_37 : vector<2048x128xf32>
    %max3A_39 = arith.constant 0.000000e+00 : f32
    %max3A_40 = vector.broadcast %max3A_39 : f32 to vector<2048x128xf32>
    %max3A_41 = arith.maximumf %add3A_38, %max3A_40 : vector<2048x128xf32>
    %swap3A = arith.constant 0 : index
    %swap3A_42 = arith.constant 0 : index
    %swap3A_43 = vector.load %arg8[%swap3A, %swap3A_42] : memref<2048x128xf32, #tpu.memory_space<vmem>>, vector<2048x128xf32>
    tpu.vector_store %arg8[%swap3A, %swap3A_42], %max3A_41 {strides = array<i32>} : memref<2048x128xf32, #tpu.memory_space<vmem>>, vector<2048x128xf32>,
    return
  }
}

module attributes {stable_mosaic.version = 14 : i64} {
  func.func @_fps_body(%arg0: memref<3x8x64xf32, #tpu.memory_space<vmem>>, %arg1: memref<3x512xf32, #tpu.memory_space<smem>>, %arg2: memref<128x3xf32, #tpu.memory_space<vmem>>, %arg3: memref<128x1xi32, #tpu.memory_space<vmem>>) attributes {dimension_semantics = [], scalar_prefetch = 0 : i64, scratch_operands = 0 : i64, tpu.core_type = #tpu.core_type<tc>} {
    %get3A = arith.constant 0 : index
    %get3A_0 = arith.constant 0 : index
    %get3A_1 = arith.constant 0 : index
    %get3A_2 = vector.load %arg0[%get3A, %get3A_0, %get3A_1] : memref<3x8x64xf32, #tpu.memory_space<vmem>>, vector<1x8x64xf32>
    %get3A_3 = vector.shape_cast %get3A_2 : vector<1x8x64xf32> to vector<8x64xf32>
    %get3A_4 = arith.constant 1 : index
    %get3A_5 = arith.constant 0 : index
    %get3A_6 = arith.constant 0 : index
    %get3A_7 = vector.load %arg0[%get3A_4, %get3A_5, %get3A_6] : memref<3x8x64xf32, #tpu.memory_space<vmem>>, vector<1x8x64xf32>
    %get3A_8 = vector.shape_cast %get3A_7 : vector<1x8x64xf32> to vector<8x64xf32>
    %get3A_9 = arith.constant 2 : index
    %get3A_10 = arith.constant 0 : index
    %get3A_11 = arith.constant 0 : index
    %get3A_12 = vector.load %arg0[%get3A_9, %get3A_10, %get3A_11] : memref<3x8x64xf32, #tpu.memory_space<vmem>>, vector<1x8x64xf32>
    %get3A_13 = vector.shape_cast %get3A_12 : vector<1x8x64xf32> to vector<8x64xf32>
    %iota3A = tpu.iota {dimensions = array<i32: 0>} : vector<8x64xi32>
    %iota3A_14 = tpu.iota {dimensions = array<i32: 1>} : vector<8x64xi32>
    %mul3A = arith.constant 64 : i32
    %mul3A_15 = vector.broadcast %mul3A : i32 to vector<8x64xi32>
    %mul3A_16 = arith.muli %iota3A, %mul3A_15 : vector<8x64xi32>
    %add3A = arith.addi %mul3A_16, %iota3A_14 : vector<8x64xi32>
    %convert_element_type3A = arith.sitofp %add3A : vector<8x64xi32> to vector<8x64xf32>
    %get3A_17 = arith.constant 0 : index
    %get3A_18 = arith.constant 0 : index
    %get3A_19 = memref.load %arg1[%get3A_17, %get3A_18] : memref<3x512xf32, #tpu.memory_space<smem>>
    %get3A_20 = arith.constant 1 : index
    %get3A_21 = arith.constant 0 : index
    %get3A_22 = memref.load %arg1[%get3A_20, %get3A_21] : memref<3x512xf32, #tpu.memory_space<smem>>
    %get3A_23 = arith.constant 2 : index
    %get3A_24 = arith.constant 0 : index
    %get3A_25 = memref.load %arg1[%get3A_23, %get3A_24] : memref<3x512xf32, #tpu.memory_space<smem>>
    %broadcast_in_dim3A = vector.broadcast %get3A_19 : f32 to vector<1x1xf32>
    %swap3A = arith.constant 0 : index
    %swap3A_26 = arith.constant 0 : index
    %swap3A_27 = vector.load %arg2[%swap3A, %swap3A_26] : memref<128x3xf32, #tpu.memory_space<vmem>>, vector<1x1xf32>
    tpu.vector_store %arg2[%swap3A, %swap3A_26], %broadcast_in_dim3A {strides = array<i32>} : memref<128x3xf32, #tpu.memory_space<vmem>>, vector<1x1xf32>,
    %broadcast_in_dim3A_28 = vector.broadcast %get3A_22 : f32 to vector<1x1xf32>
    %swap3A_29 = arith.constant 0 : index
    %swap3A_30 = arith.constant 1 : index
    %swap3A_31 = vector.load %arg2[%swap3A_29, %swap3A_30] : memref<128x3xf32, #tpu.memory_space<vmem>>, vector<1x1xf32>
    tpu.vector_store %arg2[%swap3A_29, %swap3A_30], %broadcast_in_dim3A_28 {strides = array<i32>} : memref<128x3xf32, #tpu.memory_space<vmem>>, vector<1x1xf32>,
    %broadcast_in_dim3A_32 = vector.broadcast %get3A_25 : f32 to vector<1x1xf32>
    %swap3A_33 = arith.constant 0 : index
    %swap3A_34 = arith.constant 2 : index
    %swap3A_35 = vector.load %arg2[%swap3A_33, %swap3A_34] : memref<128x3xf32, #tpu.memory_space<vmem>>, vector<1x1xf32>
    tpu.vector_store %arg2[%swap3A_33, %swap3A_34], %broadcast_in_dim3A_32 {strides = array<i32>} : memref<128x3xf32, #tpu.memory_space<vmem>>, vector<1x1xf32>,
    %broadcast_in_dim3A_36 = arith.constant 0 : i32
    %broadcast_in_dim3A_37 = vector.broadcast %broadcast_in_dim3A_36 : i32 to vector<1x1xi32>
    %swap3A_38 = arith.constant 0 : index
    %swap3A_39 = arith.constant 0 : index
    %swap3A_40 = vector.load %arg3[%swap3A_38, %swap3A_39] : memref<128x1xi32, #tpu.memory_space<vmem>>, vector<1x1xi32>
    tpu.vector_store %arg3[%swap3A_38, %swap3A_39], %broadcast_in_dim3A_37 {strides = array<i32>} : memref<128x1xi32, #tpu.memory_space<vmem>>, vector<1x1xi32>,
    %sub3A = vector.broadcast %get3A_19 : f32 to vector<8x64xf32>
    %sub3A_41 = arith.subf %get3A_3, %sub3A : vector<8x64xf32>
    %integer_pow3A = arith.mulf %sub3A_41, %sub3A_41 : vector<8x64xf32>
    %sub3A_42 = vector.broadcast %get3A_22 : f32 to vector<8x64xf32>
    %sub3A_43 = arith.subf %get3A_8, %sub3A_42 : vector<8x64xf32>
    %integer_pow3A_44 = arith.mulf %sub3A_43, %sub3A_43 : vector<8x64xf32>
    %add3A_45 = arith.addf %integer_pow3A, %integer_pow3A_44 : vector<8x64xf32>
    %sub3A_46 = vector.broadcast %get3A_25 : f32 to vector<8x64xf32>
    %sub3A_47 = arith.subf %get3A_13, %sub3A_46 : vector<8x64xf32>
    %integer_pow3A_48 = arith.mulf %sub3A_47, %sub3A_47 : vector<8x64xf32>
    %add3A_49 = arith.addf %add3A_45, %integer_pow3A_48 : vector<8x64xf32>
    %scan3A = arith.constant 1.000000e+30 : f32
    %scan3A_50 = arith.constant 1 : i32
    %scan3A_51 = arith.constant 127 : i32
    %scan3A_52 = arith.addi %scan3A_50, %scan3A_51 : i32
    %scan3A_53 = arith.constant 1 : i32
    %scan3A_54 = scf.for %scan3A_56 = %scan3A_50 to %scan3A_52 step %scan3A_53 iter_args(%scan3A_57 = %add3A_49) -> (vector<8x64xf32>)  : i32 {
      %reduce_max3A = vector.shape_cast %scan3A_57 : vector<8x64xf32> to vector<1x8x64xf32>
      %reduce_max3A_58 = arith.constant dense<0xFF800000> : vector<1xf32>
      %reduce_max3A_59 = vector.multi_reduction <maximumf>, %reduce_max3A, %reduce_max3A_58 [1, 2] : vector<1x8x64xf32> to vector<1xf32>
      %reduce_max3A_60 = vector.shape_cast %reduce_max3A_59 : vector<1xf32> to vector<1x1x1xf32>
      %reduce_max3A_61 = vector.extract %reduce_max3A_60[0, 0, 0] : f32 from vector<1x1x1xf32>
      %eq3A = vector.broadcast %reduce_max3A_61 : f32 to vector<8x64xf32>
      %eq3A_62 = arith.cmpf oeq, %scan3A_57, %eq3A : vector<8x64xf32>
      %broadcast_in_dim3A_63 = vector.broadcast %scan3A : f32 to vector<8x64xf32>
      %select_n3A = arith.select %eq3A_62, %convert_element_type3A, %broadcast_in_dim3A_63 : vector<8x64xi1>, vector<8x64xf32>
      %reduce_min3A = vector.shape_cast %select_n3A : vector<8x64xf32> to vector<1x8x64xf32>
      %reduce_min3A_64 = arith.constant dense<0x7F800000> : vector<1xf32>
      %reduce_min3A_65 = vector.multi_reduction <minimumf>, %reduce_min3A, %reduce_min3A_64 [1, 2] : vector<1x8x64xf32> to vector<1xf32>
      %reduce_min3A_66 = vector.shape_cast %reduce_min3A_65 : vector<1xf32> to vector<1x1x1xf32>
      %reduce_min3A_67 = vector.extract %reduce_min3A_66[0, 0, 0] : f32 from vector<1x1x1xf32>
      %convert_element_type3A_68 = arith.fptosi %reduce_min3A_67 : f32 to i32
      %get3A_69 = arith.constant 0 : index
      %get3A_70 = arith.index_cast %convert_element_type3A_68 : i32 to index
      %get3A_71 = memref.load %arg1[%get3A_69, %get3A_70] : memref<3x512xf32, #tpu.memory_space<smem>>
      %get3A_72 = arith.constant 1 : index
      %get3A_73 = arith.index_cast %convert_element_type3A_68 : i32 to index
      %get3A_74 = memref.load %arg1[%get3A_72, %get3A_73] : memref<3x512xf32, #tpu.memory_space<smem>>
      %get3A_75 = arith.constant 2 : index
      %get3A_76 = arith.index_cast %convert_element_type3A_68 : i32 to index
      %get3A_77 = memref.load %arg1[%get3A_75, %get3A_76] : memref<3x512xf32, #tpu.memory_space<smem>>
      %broadcast_in_dim3A_78 = vector.broadcast %get3A_71 : f32 to vector<1x1xf32>
      %swap3A_79 = arith.index_cast %scan3A_56 : i32 to index
      %swap3A_80 = arith.constant 0 : index
      %swap3A_81 = vector.load %arg2[%swap3A_79, %swap3A_80] : memref<128x3xf32, #tpu.memory_space<vmem>>, vector<1x1xf32>
      tpu.vector_store %arg2[%swap3A_79, %swap3A_80], %broadcast_in_dim3A_78 {strides = array<i32>} : memref<128x3xf32, #tpu.memory_space<vmem>>, vector<1x1xf32>,
      %broadcast_in_dim3A_82 = vector.broadcast %get3A_74 : f32 to vector<1x1xf32>
      %swap3A_83 = arith.index_cast %scan3A_56 : i32 to index
      %swap3A_84 = arith.constant 1 : index
      %swap3A_85 = vector.load %arg2[%swap3A_83, %swap3A_84] : memref<128x3xf32, #tpu.memory_space<vmem>>, vector<1x1xf32>
      tpu.vector_store %arg2[%swap3A_83, %swap3A_84], %broadcast_in_dim3A_82 {strides = array<i32>} : memref<128x3xf32, #tpu.memory_space<vmem>>, vector<1x1xf32>,
      %broadcast_in_dim3A_86 = vector.broadcast %get3A_77 : f32 to vector<1x1xf32>
      %swap3A_87 = arith.index_cast %scan3A_56 : i32 to index
      %swap3A_88 = arith.constant 2 : index
      %swap3A_89 = vector.load %arg2[%swap3A_87, %swap3A_88] : memref<128x3xf32, #tpu.memory_space<vmem>>, vector<1x1xf32>
      tpu.vector_store %arg2[%swap3A_87, %swap3A_88], %broadcast_in_dim3A_86 {strides = array<i32>} : memref<128x3xf32, #tpu.memory_space<vmem>>, vector<1x1xf32>,
      %broadcast_in_dim3A_90 = vector.broadcast %convert_element_type3A_68 : i32 to vector<1x1xi32>
      %swap3A_91 = arith.index_cast %scan3A_56 : i32 to index
      %swap3A_92 = arith.constant 0 : index
      %swap3A_93 = vector.load %arg3[%swap3A_91, %swap3A_92] : memref<128x1xi32, #tpu.memory_space<vmem>>, vector<1x1xi32>
      tpu.vector_store %arg3[%swap3A_91, %swap3A_92], %broadcast_in_dim3A_90 {strides = array<i32>} : memref<128x1xi32, #tpu.memory_space<vmem>>, vector<1x1xi32>,
      %sub3A_94 = vector.broadcast %get3A_71 : f32 to vector<8x64xf32>
      %sub3A_95 = arith.subf %get3A_3, %sub3A_94 : vector<8x64xf32>
      %integer_pow3A_96 = arith.mulf %sub3A_95, %sub3A_95 : vector<8x64xf32>
      %sub3A_97 = vector.broadcast %get3A_74 : f32 to vector<8x64xf32>
      %sub3A_98 = arith.subf %get3A_8, %sub3A_97 : vector<8x64xf32>
      %integer_pow3A_99 = arith.mulf %sub3A_98, %sub3A_98 : vector<8x64xf32>
      %add3A_100 = arith.addf %integer_pow3A_96, %integer_pow3A_99 : vector<8x64xf32>
      %sub3A_101 = vector.broadcast %get3A_77 : f32 to vector<8x64xf32>
      %sub3A_102 = arith.subf %get3A_13, %sub3A_101 : vector<8x64xf32>
      %integer_pow3A_103 = arith.mulf %sub3A_102, %sub3A_102 : vector<8x64xf32>
      %add3A_104 = arith.addf %add3A_100, %integer_pow3A_103 : vector<8x64xf32>
      %min3A = arith.minimumf %scan3A_57, %add3A_104 : vector<8x64xf32>
      scf.yield %min3A : vector<8x64xf32>
    }
    %scan3A_55 = arith.constant 127 : i32
    return
  }
}

module attributes {stable_mosaic.version = 14 : i64} {
  func.func @_gather_mlp_body(%arg0: memref<128xi32, #tpu.memory_space<smem>>, %arg1: memref<512x256xf32, #tpu.memory_space<vmem>>, %arg2: memref<128x3xf32, #tpu.memory_space<vmem>>, %arg3: memref<256x256xf32, #tpu.memory_space<vmem>>, %arg4: memref<3x256xf32, #tpu.memory_space<vmem>>, %arg5: memref<1x256xf32, #tpu.memory_space<vmem>>, %arg6: memref<256x512xf32, #tpu.memory_space<vmem>>, %arg7: memref<1x512xf32, #tpu.memory_space<vmem>>, %arg8: memref<512x1024xf32, #tpu.memory_space<vmem>>, %arg9: memref<1x1024xf32, #tpu.memory_space<vmem>>, %arg10: memref<128x1024xf32, #tpu.memory_space<vmem>>, %arg11: memref<128x256xf32, #tpu.memory_space<vmem>>) attributes {dimension_semantics = [], scalar_prefetch = 0 : i64, scratch_operands = 1 : i64, tpu.core_type = #tpu.core_type<tc>} {
    %scan3A = arith.constant 0 : i32
    %scan3A_0 = arith.constant 128 : i32
    %scan3A_1 = arith.addi %scan3A, %scan3A_0 : i32
    %scan3A_2 = arith.constant 1 : i32
    scf.for %scan3A_53 = %scan3A to %scan3A_1 step %scan3A_2  : i32 {
      %get3A_54 = arith.index_cast %scan3A_53 : i32 to index
      %get3A_55 = memref.load %arg0[%get3A_54] : memref<128xi32, #tpu.memory_space<smem>>
      %get3A_56 = arith.index_cast %get3A_55 : i32 to index
      %get3A_57 = arith.constant 0 : index
      %get3A_58 = vector.load %arg1[%get3A_56, %get3A_57] : memref<512x256xf32, #tpu.memory_space<vmem>>, vector<1x256xf32>
      %swap3A_59 = arith.index_cast %scan3A_53 : i32 to index
      %swap3A_60 = arith.constant 0 : index
      %swap3A_61 = vector.load %arg11[%swap3A_59, %swap3A_60] : memref<128x256xf32, #tpu.memory_space<vmem>>, vector<1x256xf32>
      tpu.vector_store %arg11[%swap3A_59, %swap3A_60], %get3A_58 {strides = array<i32>} : memref<128x256xf32, #tpu.memory_space<vmem>>, vector<1x256xf32>,
    }
    %scan3A_3 = arith.constant 128 : i32
    %get3A = arith.constant 0 : index
    %get3A_4 = arith.constant 0 : index
    %get3A_5 = vector.load %arg11[%get3A, %get3A_4] : memref<128x256xf32, #tpu.memory_space<vmem>>, vector<128x256xf32>
    %get3A_6 = arith.constant 0 : index
    %get3A_7 = arith.constant 0 : index
    %get3A_8 = vector.load %arg3[%get3A_6, %get3A_7] : memref<256x256xf32, #tpu.memory_space<vmem>>, vector<256x256xf32>
    %get3A_9 = arith.constant 0 : index
    %get3A_10 = arith.constant 0 : index
    %get3A_11 = vector.load %arg4[%get3A_9, %get3A_10] : memref<3x256xf32, #tpu.memory_space<vmem>>, vector<3x256xf32>
    %get3A_12 = arith.constant 0 : index
    %get3A_13 = arith.constant 0 : index
    %get3A_14 = vector.load %arg5[%get3A_12, %get3A_13] : memref<1x256xf32, #tpu.memory_space<vmem>>, vector<1x256xf32>
    %dot_general3A = arith.constant dense<0.000000e+00> : vector<128x256xf32>
    %dot_general3A_15 = tpu.matmul %get3A_5, %get3A_8, %dot_general3A {dimension_numbers = #tpu.dot_dimension_numbers<[1], [0], [0], [1], [0, 0, 1, 1], [], []>, transpose_lhs_hint = false} : vector<128x256xf32>, vector<256x256xf32>, vector<128x256xf32> -> vector<128x256xf32>
    %get3A_16 = arith.constant 0 : index
    %get3A_17 = arith.constant 0 : index
    %get3A_18 = vector.load %arg2[%get3A_16, %get3A_17] : memref<128x3xf32, #tpu.memory_space<vmem>>, vector<128x3xf32>
    %dot_general3A_19 = arith.constant dense<0.000000e+00> : vector<128x256xf32>
    %dot_general3A_20 = tpu.matmul %get3A_18, %get3A_11, %dot_general3A_19 {dimension_numbers = #tpu.dot_dimension_numbers<[1], [0], [0], [1], [0, 0, 1, 1], [], []>, transpose_lhs_hint = false} : vector<128x3xf32>, vector<3x256xf32>, vector<128x256xf32> -> vector<128x256xf32>
    %add3A = arith.addf %dot_general3A_15, %dot_general3A_20 : vector<128x256xf32>
    %add3A_21 = vector.broadcast %get3A_14 : vector<1x256xf32> to vector<128x256xf32>
    %add3A_22 = arith.addf %add3A, %add3A_21 : vector<128x256xf32>
    %max3A = arith.constant 0.000000e+00 : f32
    %max3A_23 = vector.broadcast %max3A : f32 to vector<128x256xf32>
    %max3A_24 = arith.maximumf %add3A_22, %max3A_23 : vector<128x256xf32>
    %get3A_25 = arith.constant 0 : index
    %get3A_26 = arith.constant 0 : index
    %get3A_27 = vector.load %arg6[%get3A_25, %get3A_26] : memref<256x512xf32, #tpu.memory_space<vmem>>, vector<256x512xf32>
    %get3A_28 = arith.constant 0 : index
    %get3A_29 = arith.constant 0 : index
    %get3A_30 = vector.load %arg7[%get3A_28, %get3A_29] : memref<1x512xf32, #tpu.memory_space<vmem>>, vector<1x512xf32>
    %dot_general3A_31 = arith.constant dense<0.000000e+00> : vector<128x512xf32>
    %dot_general3A_32 = tpu.matmul %max3A_24, %get3A_27, %dot_general3A_31 {dimension_numbers = #tpu.dot_dimension_numbers<[1], [0], [0], [1], [0, 0, 1, 1], [], []>, transpose_lhs_hint = false} : vector<128x256xf32>, vector<256x512xf32>, vector<128x512xf32> -> vector<128x512xf32>
    %add3A_33 = vector.broadcast %get3A_30 : vector<1x512xf32> to vector<128x512xf32>
    %add3A_34 = arith.addf %dot_general3A_32, %add3A_33 : vector<128x512xf32>
    %max3A_35 = arith.constant 0.000000e+00 : f32
    %max3A_36 = vector.broadcast %max3A_35 : f32 to vector<128x512xf32>
    %max3A_37 = arith.maximumf %add3A_34, %max3A_36 : vector<128x512xf32>
    %get3A_38 = arith.constant 0 : index
    %get3A_39 = arith.constant 0 : index
    %get3A_40 = vector.load %arg8[%get3A_38, %get3A_39] : memref<512x1024xf32, #tpu.memory_space<vmem>>, vector<512x1024xf32>
    %get3A_41 = arith.constant 0 : index
    %get3A_42 = arith.constant 0 : index
    %get3A_43 = vector.load %arg9[%get3A_41, %get3A_42] : memref<1x1024xf32, #tpu.memory_space<vmem>>, vector<1x1024xf32>
    %dot_general3A_44 = arith.constant dense<0.000000e+00> : vector<128x1024xf32>
    %dot_general3A_45 = tpu.matmul %max3A_37, %get3A_40, %dot_general3A_44 {dimension_numbers = #tpu.dot_dimension_numbers<[1], [0], [0], [1], [0, 0, 1, 1], [], []>, transpose_lhs_hint = false} : vector<128x512xf32>, vector<512x1024xf32>, vector<128x1024xf32> -> vector<128x1024xf32>
    %add3A_46 = vector.broadcast %get3A_43 : vector<1x1024xf32> to vector<128x1024xf32>
    %add3A_47 = arith.addf %dot_general3A_45, %add3A_46 : vector<128x1024xf32>
    %max3A_48 = arith.constant 0.000000e+00 : f32
    %max3A_49 = vector.broadcast %max3A_48 : f32 to vector<128x1024xf32>
    %max3A_50 = arith.maximumf %add3A_47, %max3A_49 : vector<128x1024xf32>
    %swap3A = arith.constant 0 : index
    %swap3A_51 = arith.constant 0 : index
    %swap3A_52 = vector.load %arg10[%swap3A, %swap3A_51] : memref<128x1024xf32, #tpu.memory_space<vmem>>, vector<128x1024xf32>
    tpu.vector_store %arg10[%swap3A, %swap3A_51], %max3A_50 {strides = array<i32>} : memref<128x1024xf32, #tpu.memory_space<vmem>>, vector<128x1024xf32>,
    return
  }
}

module attributes {stable_mosaic.version = 14 : i64} {
  func.func @_gather_mlp_body(%arg0: memref<512x128xf32, #tpu.memory_space<vmem>>, %arg1: memref<512x3xf32, #tpu.memory_space<vmem>>, %arg2: memref<128x128xf32, #tpu.memory_space<vmem>>, %arg3: memref<3x128xf32, #tpu.memory_space<vmem>>, %arg4: memref<1x128xf32, #tpu.memory_space<vmem>>, %arg5: memref<128x128xf32, #tpu.memory_space<vmem>>, %arg6: memref<1x128xf32, #tpu.memory_space<vmem>>, %arg7: memref<128x256xf32, #tpu.memory_space<vmem>>, %arg8: memref<1x256xf32, #tpu.memory_space<vmem>>, %arg9: memref<512x256xf32, #tpu.memory_space<vmem>>) attributes {dimension_semantics = [], scalar_prefetch = 0 : i64, scratch_operands = 0 : i64, tpu.core_type = #tpu.core_type<tc>} {
    %get3A = arith.constant 0 : index
    %get3A_0 = arith.constant 0 : index
    %get3A_1 = vector.load %arg0[%get3A, %get3A_0] : memref<512x128xf32, #tpu.memory_space<vmem>>, vector<512x128xf32>
    %get3A_2 = arith.constant 0 : index
    %get3A_3 = arith.constant 0 : index
    %get3A_4 = vector.load %arg2[%get3A_2, %get3A_3] : memref<128x128xf32, #tpu.memory_space<vmem>>, vector<128x128xf32>
    %get3A_5 = arith.constant 0 : index
    %get3A_6 = arith.constant 0 : index
    %get3A_7 = vector.load %arg3[%get3A_5, %get3A_6] : memref<3x128xf32, #tpu.memory_space<vmem>>, vector<3x128xf32>
    %get3A_8 = arith.constant 0 : index
    %get3A_9 = arith.constant 0 : index
    %get3A_10 = vector.load %arg4[%get3A_8, %get3A_9] : memref<1x128xf32, #tpu.memory_space<vmem>>, vector<1x128xf32>
    %dot_general3A = arith.constant dense<0.000000e+00> : vector<512x128xf32>
    %dot_general3A_11 = tpu.matmul %get3A_1, %get3A_4, %dot_general3A {dimension_numbers = #tpu.dot_dimension_numbers<[1], [0], [0], [1], [0, 0, 1, 1], [], []>, transpose_lhs_hint = false} : vector<512x128xf32>, vector<128x128xf32>, vector<512x128xf32> -> vector<512x128xf32>
    %get3A_12 = arith.constant 0 : index
    %get3A_13 = arith.constant 0 : index
    %get3A_14 = vector.load %arg1[%get3A_12, %get3A_13] : memref<512x3xf32, #tpu.memory_space<vmem>>, vector<512x3xf32>
    %dot_general3A_15 = arith.constant dense<0.000000e+00> : vector<512x128xf32>
    %dot_general3A_16 = tpu.matmul %get3A_14, %get3A_7, %dot_general3A_15 {dimension_numbers = #tpu.dot_dimension_numbers<[1], [0], [0], [1], [0, 0, 1, 1], [], []>, transpose_lhs_hint = false} : vector<512x3xf32>, vector<3x128xf32>, vector<512x128xf32> -> vector<512x128xf32>
    %add3A = arith.addf %dot_general3A_11, %dot_general3A_16 : vector<512x128xf32>
    %add3A_17 = vector.broadcast %get3A_10 : vector<1x128xf32> to vector<512x128xf32>
    %add3A_18 = arith.addf %add3A, %add3A_17 : vector<512x128xf32>
    %max3A = arith.constant 0.000000e+00 : f32
    %max3A_19 = vector.broadcast %max3A : f32 to vector<512x128xf32>
    %max3A_20 = arith.maximumf %add3A_18, %max3A_19 : vector<512x128xf32>
    %get3A_21 = arith.constant 0 : index
    %get3A_22 = arith.constant 0 : index
    %get3A_23 = vector.load %arg5[%get3A_21, %get3A_22] : memref<128x128xf32, #tpu.memory_space<vmem>>, vector<128x128xf32>
    %get3A_24 = arith.constant 0 : index
    %get3A_25 = arith.constant 0 : index
    %get3A_26 = vector.load %arg6[%get3A_24, %get3A_25] : memref<1x128xf32, #tpu.memory_space<vmem>>, vector<1x128xf32>
    %dot_general3A_27 = arith.constant dense<0.000000e+00> : vector<512x128xf32>
    %dot_general3A_28 = tpu.matmul %max3A_20, %get3A_23, %dot_general3A_27 {dimension_numbers = #tpu.dot_dimension_numbers<[1], [0], [0], [1], [0, 0, 1, 1], [], []>, transpose_lhs_hint = false} : vector<512x128xf32>, vector<128x128xf32>, vector<512x128xf32> -> vector<512x128xf32>
    %add3A_29 = vector.broadcast %get3A_26 : vector<1x128xf32> to vector<512x128xf32>
    %add3A_30 = arith.addf %dot_general3A_28, %add3A_29 : vector<512x128xf32>
    %max3A_31 = arith.constant 0.000000e+00 : f32
    %max3A_32 = vector.broadcast %max3A_31 : f32 to vector<512x128xf32>
    %max3A_33 = arith.maximumf %add3A_30, %max3A_32 : vector<512x128xf32>
    %get3A_34 = arith.constant 0 : index
    %get3A_35 = arith.constant 0 : index
    %get3A_36 = vector.load %arg7[%get3A_34, %get3A_35] : memref<128x256xf32, #tpu.memory_space<vmem>>, vector<128x256xf32>
    %get3A_37 = arith.constant 0 : index
    %get3A_38 = arith.constant 0 : index
    %get3A_39 = vector.load %arg8[%get3A_37, %get3A_38] : memref<1x256xf32, #tpu.memory_space<vmem>>, vector<1x256xf32>
    %dot_general3A_40 = arith.constant dense<0.000000e+00> : vector<512x256xf32>
    %dot_general3A_41 = tpu.matmul %max3A_33, %get3A_36, %dot_general3A_40 {dimension_numbers = #tpu.dot_dimension_numbers<[1], [0], [0], [1], [0, 0, 1, 1], [], []>, transpose_lhs_hint = false} : vector<512x128xf32>, vector<128x256xf32>, vector<512x256xf32> -> vector<512x256xf32>
    %add3A_42 = vector.broadcast %get3A_39 : vector<1x256xf32> to vector<512x256xf32>
    %add3A_43 = arith.addf %dot_general3A_41, %add3A_42 : vector<512x256xf32>
    %max3A_44 = arith.constant 0.000000e+00 : f32
    %max3A_45 = vector.broadcast %max3A_44 : f32 to vector<512x256xf32>
    %max3A_46 = arith.maximumf %add3A_43, %max3A_45 : vector<512x256xf32>
    %swap3A = arith.constant 0 : index
    %swap3A_47 = arith.constant 0 : index
    %swap3A_48 = vector.load %arg9[%swap3A, %swap3A_47] : memref<512x256xf32, #tpu.memory_space<vmem>>, vector<512x256xf32>
    tpu.vector_store %arg9[%swap3A, %swap3A_47], %max3A_46 {strides = array<i32>} : memref<512x256xf32, #tpu.memory_space<vmem>>, vector<512x256xf32>,
    return
  }
}

module attributes {stable_mosaic.version = 14 : i64} {
  func.func @_interp_mlp_body(%arg0: i32, %arg1: memref<512x3xf32, #tpu.memory_space<vmem>>, %arg2: memref<3x128xf32, #tpu.memory_space<vmem>>, %arg3: memref<128x1024xf32, #tpu.memory_space<vmem>>, %arg4: memref<512x256xf32, #tpu.memory_space<vmem>>, %arg5: memref<1024x256xf32, #tpu.memory_space<vmem>>, %arg6: memref<256x256xf32, #tpu.memory_space<vmem>>, %arg7: memref<1x256xf32, #tpu.memory_space<vmem>>, %arg8: memref<256x256xf32, #tpu.memory_space<vmem>>, %arg9: memref<1x256xf32, #tpu.memory_space<vmem>>, %arg10: memref<512x256xf32, #tpu.memory_space<vmem>>) attributes {dimension_semantics = [#tpu.dimension_semantics<arbitrary>], iteration_bounds = array<i64: 1>, scalar_prefetch = 0 : i64, scratch_operands = 0 : i64, tpu.core_type = #tpu.core_type<tc>, window_params = [{transform_indices = @transform_0, window_bounds = array<i64: 512, 3>}, {pipeline_mode = #tpu.pipeline_mode<synchronous>, transform_indices = @transform_1, window_bounds = array<i64: 3, 128>}, {pipeline_mode = #tpu.pipeline_mode<synchronous>, transform_indices = @transform_2, window_bounds = array<i64: 128, 1024>}, {transform_indices = @transform_3, window_bounds = array<i64: 512, 256>}, {pipeline_mode = #tpu.pipeline_mode<synchronous>, transform_indices = @transform_4, window_bounds = array<i64: 1024, 256>}, {pipeline_mode = #tpu.pipeline_mode<synchronous>, transform_indices = @transform_5, window_bounds = array<i64: 256, 256>}, {pipeline_mode = #tpu.pipeline_mode<synchronous>, transform_indices = @transform_6, window_bounds = array<i64: 1, 256>}, {pipeline_mode = #tpu.pipeline_mode<synchronous>, transform_indices = @transform_7, window_bounds = array<i64: 256, 256>}, {pipeline_mode = #tpu.pipeline_mode<synchronous>, transform_indices = @transform_8, window_bounds = array<i64: 1, 256>}, {transform_indices = @transform_9, window_bounds = array<i64: 512, 256>}]} {
    %get3A = arith.constant 0 : index
    %get3A_0 = arith.constant 0 : index
    %get3A_1 = vector.load %arg1[%get3A, %get3A_0] : memref<512x3xf32, #tpu.memory_space<vmem>>, vector<512x3xf32>
    %get3A_2 = arith.constant 0 : index
    %get3A_3 = arith.constant 0 : index
    %get3A_4 = vector.load %arg2[%get3A_2, %get3A_3] : memref<3x128xf32, #tpu.memory_space<vmem>>, vector<3x128xf32>
    %dot_general3A = arith.constant dense<0.000000e+00> : vector<512x128xf32>
    %dot_general3A_5 = tpu.matmul %get3A_1, %get3A_4, %dot_general3A {dimension_numbers = #tpu.dot_dimension_numbers<[1], [0], [0], [1], [0, 0, 1, 1], [], []>, transpose_lhs_hint = false} : vector<512x3xf32>, vector<3x128xf32>, vector<512x128xf32> -> vector<512x128xf32>
    %mul3A = arith.mulf %get3A_1, %get3A_1 : vector<512x3xf32>
    %reduce_sum3A = arith.constant dense<0.000000e+00> : vector<512xf32>
    %reduce_sum3A_6 = vector.multi_reduction <add>, %mul3A, %reduce_sum3A [1] : vector<512x3xf32> to vector<512xf32>
    %broadcast_in_dim3A = vector.shape_cast %reduce_sum3A_6 : vector<512xf32> to vector<512x1xf32>
    %mul3A_7 = arith.mulf %get3A_4, %get3A_4 : vector<3x128xf32>
    %reduce_sum3A_8 = arith.constant dense<0.000000e+00> : vector<128xf32>
    %reduce_sum3A_9 = vector.multi_reduction <add>, %mul3A_7, %reduce_sum3A_8 [0] : vector<3x128xf32> to vector<128xf32>
    %broadcast_in_dim3A_10 = vector.shape_cast %reduce_sum3A_9 : vector<128xf32> to vector<1x128xf32>
    %add3A = vector.broadcast %broadcast_in_dim3A : vector<512x1xf32> to vector<512x128xf32>
    %add3A_11 = vector.broadcast %broadcast_in_dim3A_10 : vector<1x128xf32> to vector<512x128xf32>
    %add3A_12 = arith.addf %add3A, %add3A_11 : vector<512x128xf32>
    %mul3A_13 = arith.constant 2.000000e+00 : f32
    %mul3A_14 = vector.broadcast %mul3A_13 : f32 to vector<512x128xf32>
    %mul3A_15 = arith.mulf %mul3A_14, %dot_general3A_5 : vector<512x128xf32>
    %sub3A = arith.subf %add3A_12, %mul3A_15 : vector<512x128xf32>
    %max3A = arith.constant 0.000000e+00 : f32
    %max3A_16 = vector.broadcast %max3A : f32 to vector<512x128xf32>
    %max3A_17 = arith.maximumf %sub3A, %max3A_16 : vector<512x128xf32>
    %iota3A = tpu.iota {dimensions = array<i32: 1>} : vector<512x128xi32>
    %reduce_min3A = arith.constant dense<0x7F800000> : vector<512xf32>
    %reduce_min3A_18 = vector.multi_reduction <minimumf>, %max3A_17, %reduce_min3A [1] : vector<512x128xf32> to vector<512xf32>
    %broadcast_in_dim3A_19 = vector.shape_cast %reduce_min3A_18 : vector<512xf32> to vector<512x1xf32>
    %eq3A = vector.broadcast %broadcast_in_dim3A_19 : vector<512x1xf32> to vector<512x128xf32>
    %eq3A_20 = arith.cmpf oeq, %max3A_17, %eq3A : vector<512x128xf32>
    %jit3A = arith.constant 128 : i32
    %broadcast_in_dim3A_21 = vector.broadcast %jit3A : i32 to vector<512x128xi32>
    %select_n3A = arith.select %eq3A_20, %iota3A, %broadcast_in_dim3A_21 : vector<512x128xi1>, vector<512x128xi32>
    %reduce_min3A_22 = arith.constant dense<2147483647> : vector<512xi32>
    %reduce_min3A_23 = vector.multi_reduction <minsi>, %select_n3A, %reduce_min3A_22 [1] : vector<512x128xi32> to vector<512xi32>
    %broadcast_in_dim3A_24 = vector.shape_cast %reduce_min3A_23 : vector<512xi32> to vector<512x1xi32>
    %eq3A_25 = vector.broadcast %broadcast_in_dim3A_24 : vector<512x1xi32> to vector<512x128xi32>
    %eq3A_26 = arith.cmpi eq, %iota3A, %eq3A_25 : vector<512x128xi32>
    %jit3A_27 = arith.constant 0x7F800000 : f32
    %broadcast_in_dim3A_28 = vector.broadcast %jit3A_27 : f32 to vector<512x128xf32>
    %select_n3A_29 = arith.select %eq3A_26, %broadcast_in_dim3A_28, %max3A_17 : vector<512x128xi1>, vector<512x128xf32>
    %reduce_min3A_30 = arith.constant dense<0x7F800000> : vector<512xf32>
    %reduce_min3A_31 = vector.multi_reduction <minimumf>, %select_n3A_29, %reduce_min3A_30 [1] : vector<512x128xf32> to vector<512xf32>
    %broadcast_in_dim3A_32 = vector.shape_cast %reduce_min3A_31 : vector<512xf32> to vector<512x1xf32>
    %eq3A_33 = vector.broadcast %broadcast_in_dim3A_32 : vector<512x1xf32> to vector<512x128xf32>
    %eq3A_34 = arith.cmpf oeq, %select_n3A_29, %eq3A_33 : vector<512x128xf32>
    %jit3A_35 = arith.constant 128 : i32
    %broadcast_in_dim3A_36 = vector.broadcast %jit3A_35 : i32 to vector<512x128xi32>
    %select_n3A_37 = arith.select %eq3A_34, %iota3A, %broadcast_in_dim3A_36 : vector<512x128xi1>, vector<512x128xi32>
    %reduce_min3A_38 = arith.constant dense<2147483647> : vector<512xi32>
    %reduce_min3A_39 = vector.multi_reduction <minsi>, %select_n3A_37, %reduce_min3A_38 [1] : vector<512x128xi32> to vector<512xi32>
    %broadcast_in_dim3A_40 = vector.shape_cast %reduce_min3A_39 : vector<512xi32> to vector<512x1xi32>
    %eq3A_41 = vector.broadcast %broadcast_in_dim3A_40 : vector<512x1xi32> to vector<512x128xi32>
    %eq3A_42 = arith.cmpi eq, %iota3A, %eq3A_41 : vector<512x128xi32>
    %jit3A_43 = arith.constant 0x7F800000 : f32
    %broadcast_in_dim3A_44 = vector.broadcast %jit3A_43 : f32 to vector<512x128xf32>
    %select_n3A_45 = arith.select %eq3A_42, %broadcast_in_dim3A_44, %select_n3A_29 : vector<512x128xi1>, vector<512x128xf32>
    %reduce_min3A_46 = arith.constant dense<0x7F800000> : vector<512xf32>
    %reduce_min3A_47 = vector.multi_reduction <minimumf>, %select_n3A_45, %reduce_min3A_46 [1] : vector<512x128xf32> to vector<512xf32>
    %broadcast_in_dim3A_48 = vector.shape_cast %reduce_min3A_47 : vector<512xf32> to vector<512x1xf32>
    %eq3A_49 = vector.broadcast %broadcast_in_dim3A_48 : vector<512x1xf32> to vector<512x128xf32>
    %eq3A_50 = arith.cmpf oeq, %select_n3A_45, %eq3A_49 : vector<512x128xf32>
    %jit3A_51 = arith.constant 128 : i32
    %broadcast_in_dim3A_52 = vector.broadcast %jit3A_51 : i32 to vector<512x128xi32>
    %select_n3A_53 = arith.select %eq3A_50, %iota3A, %broadcast_in_dim3A_52 : vector<512x128xi1>, vector<512x128xi32>
    %reduce_min3A_54 = arith.constant dense<2147483647> : vector<512xi32>
    %reduce_min3A_55 = vector.multi_reduction <minsi>, %select_n3A_53, %reduce_min3A_54 [1] : vector<512x128xi32> to vector<512xi32>
    %broadcast_in_dim3A_56 = vector.shape_cast %reduce_min3A_55 : vector<512xi32> to vector<512x1xi32>
    %max3A_57 = arith.constant 1.000000e-16 : f32
    %max3A_58 = vector.broadcast %max3A_57 : f32 to vector<512x1xf32>
    %max3A_59 = arith.maximumf %broadcast_in_dim3A_19, %max3A_58 : vector<512x1xf32>
    %div3A = arith.constant 1.000000e+00 : f32
    %div3A_60 = vector.broadcast %div3A : f32 to vector<512x1xf32>
    %div3A_61 = arith.divf %div3A_60, %max3A_59 : vector<512x1xf32>
    %max3A_62 = arith.constant 1.000000e-16 : f32
    %max3A_63 = vector.broadcast %max3A_62 : f32 to vector<512x1xf32>
    %max3A_64 = arith.maximumf %broadcast_in_dim3A_32, %max3A_63 : vector<512x1xf32>
    %div3A_65 = arith.constant 1.000000e+00 : f32
    %div3A_66 = vector.broadcast %div3A_65 : f32 to vector<512x1xf32>
    %div3A_67 = arith.divf %div3A_66, %max3A_64 : vector<512x1xf32>
    %max3A_68 = arith.constant 1.000000e-16 : f32
    %max3A_69 = vector.broadcast %max3A_68 : f32 to vector<512x1xf32>
    %max3A_70 = arith.maximumf %broadcast_in_dim3A_48, %max3A_69 : vector<512x1xf32>
    %div3A_71 = arith.constant 1.000000e+00 : f32
    %div3A_72 = vector.broadcast %div3A_71 : f32 to vector<512x1xf32>
    %div3A_73 = arith.divf %div3A_72, %max3A_70 : vector<512x1xf32>
    %eq3A_74 = vector.broadcast %broadcast_in_dim3A_24 : vector<512x1xi32> to vector<512x128xi32>
    %eq3A_75 = arith.cmpi eq, %iota3A, %eq3A_74 : vector<512x128xi32>
    %jit3A_76 = arith.constant 0.000000e+00 : f32
    %broadcast_in_dim3A_77 = vector.shape_cast %div3A_61 : vector<512x1xf32> to vector<512x1xf32>
    %broadcast_in_dim3A_78 = vector.broadcast %broadcast_in_dim3A_77 : vector<512x1xf32> to vector<512x128xf32>
    %broadcast_in_dim3A_79 = vector.broadcast %jit3A_76 : f32 to vector<512x128xf32>
    %select_n3A_80 = arith.select %eq3A_75, %broadcast_in_dim3A_78, %broadcast_in_dim3A_79 : vector<512x128xi1>, vector<512x128xf32>
    %eq3A_81 = vector.broadcast %broadcast_in_dim3A_40 : vector<512x1xi32> to vector<512x128xi32>
    %eq3A_82 = arith.cmpi eq, %iota3A, %eq3A_81 : vector<512x128xi32>
    %jit3A_83 = arith.constant 0.000000e+00 : f32
    %broadcast_in_dim3A_84 = vector.shape_cast %div3A_67 : vector<512x1xf32> to vector<512x1xf32>
    %broadcast_in_dim3A_85 = vector.broadcast %broadcast_in_dim3A_84 : vector<512x1xf32> to vector<512x128xf32>
    %broadcast_in_dim3A_86 = vector.broadcast %jit3A_83 : f32 to vector<512x128xf32>
    %select_n3A_87 = arith.select %eq3A_82, %broadcast_in_dim3A_85, %broadcast_in_dim3A_86 : vector<512x128xi1>, vector<512x128xf32>
    %add3A_88 = arith.addf %select_n3A_80, %select_n3A_87 : vector<512x128xf32>
    %eq3A_89 = vector.broadcast %broadcast_in_dim3A_56 : vector<512x1xi32> to vector<512x128xi32>
    %eq3A_90 = arith.cmpi eq, %iota3A, %eq3A_89 : vector<512x128xi32>
    %jit3A_91 = arith.constant 0.000000e+00 : f32
    %broadcast_in_dim3A_92 = vector.shape_cast %div3A_73 : vector<512x1xf32> to vector<512x1xf32>
    %broadcast_in_dim3A_93 = vector.broadcast %broadcast_in_dim3A_92 : vector<512x1xf32> to vector<512x128xf32>
    %broadcast_in_dim3A_94 = vector.broadcast %jit3A_91 : f32 to vector<512x128xf32>
    %select_n3A_95 = arith.select %eq3A_90, %broadcast_in_dim3A_93, %broadcast_in_dim3A_94 : vector<512x128xi1>, vector<512x128xf32>
    %add3A_96 = arith.addf %add3A_88, %select_n3A_95 : vector<512x128xf32>
    %add3A_97 = arith.addf %div3A_61, %div3A_67 : vector<512x1xf32>
    %add3A_98 = arith.addf %add3A_97, %div3A_73 : vector<512x1xf32>
    %get3A_99 = arith.constant 0 : index
    %get3A_100 = arith.constant 0 : index
    %get3A_101 = vector.load %arg3[%get3A_99, %get3A_100] : memref<128x1024xf32, #tpu.memory_space<vmem>>, vector<128x1024xf32>
    %dot_general3A_102 = arith.constant dense<0.000000e+00> : vector<512x1024xf32>
    %dot_general3A_103 = tpu.matmul %add3A_96, %get3A_101, %dot_general3A_102 {dimension_numbers = #tpu.dot_dimension_numbers<[1], [0], [0], [1], [0, 0, 1, 1], [], []>, transpose_lhs_hint = false} : vector<512x128xf32>, vector<128x1024xf32>, vector<512x1024xf32> -> vector<512x1024xf32>
    %div3A_104 = arith.constant 1.000000e+00 : f32
    %div3A_105 = vector.broadcast %div3A_104 : f32 to vector<512x1xf32>
    %div3A_106 = arith.divf %div3A_105, %add3A_98 : vector<512x1xf32>
    %mul3A_107 = vector.broadcast %div3A_106 : vector<512x1xf32> to vector<512x1024xf32>
    %mul3A_108 = arith.mulf %dot_general3A_103, %mul3A_107 : vector<512x1024xf32>
    %get3A_109 = arith.constant 0 : index
    %get3A_110 = arith.constant 0 : index
    %get3A_111 = vector.load %arg5[%get3A_109, %get3A_110] : memref<1024x256xf32, #tpu.memory_space<vmem>>, vector<1024x256xf32>
    %get3A_112 = arith.constant 0 : index
    %get3A_113 = arith.constant 0 : index
    %get3A_114 = vector.load %arg6[%get3A_112, %get3A_113] : memref<256x256xf32, #tpu.memory_space<vmem>>, vector<256x256xf32>
    %get3A_115 = arith.constant 0 : index
    %get3A_116 = arith.constant 0 : index
    %get3A_117 = vector.load %arg7[%get3A_115, %get3A_116] : memref<1x256xf32, #tpu.memory_space<vmem>>, vector<1x256xf32>
    %dot_general3A_118 = arith.constant dense<0.000000e+00> : vector<512x256xf32>
    %dot_general3A_119 = tpu.matmul %mul3A_108, %get3A_111, %dot_general3A_118 {dimension_numbers = #tpu.dot_dimension_numbers<[1], [0], [0], [1], [0, 0, 1, 1], [], []>, transpose_lhs_hint = false} : vector<512x1024xf32>, vector<1024x256xf32>, vector<512x256xf32> -> vector<512x256xf32>
    %get3A_120 = arith.constant 0 : index
    %get3A_121 = arith.constant 0 : index
    %get3A_122 = vector.load %arg4[%get3A_120, %get3A_121] : memref<512x256xf32, #tpu.memory_space<vmem>>, vector<512x256xf32>
    %dot_general3A_123 = arith.constant dense<0.000000e+00> : vector<512x256xf32>
    %dot_general3A_124 = tpu.matmul %get3A_122, %get3A_114, %dot_general3A_123 {dimension_numbers = #tpu.dot_dimension_numbers<[1], [0], [0], [1], [0, 0, 1, 1], [], []>, transpose_lhs_hint = false} : vector<512x256xf32>, vector<256x256xf32>, vector<512x256xf32> -> vector<512x256xf32>
    %add3A_125 = arith.addf %dot_general3A_119, %dot_general3A_124 : vector<512x256xf32>
    %add3A_126 = vector.broadcast %get3A_117 : vector<1x256xf32> to vector<512x256xf32>
    %add3A_127 = arith.addf %add3A_125, %add3A_126 : vector<512x256xf32>
    %max3A_128 = arith.constant 0.000000e+00 : f32
    %max3A_129 = vector.broadcast %max3A_128 : f32 to vector<512x256xf32>
    %max3A_130 = arith.maximumf %add3A_127, %max3A_129 : vector<512x256xf32>
    %get3A_131 = arith.constant 0 : index
    %get3A_132 = arith.constant 0 : index
    %get3A_133 = vector.load %arg8[%get3A_131, %get3A_132] : memref<256x256xf32, #tpu.memory_space<vmem>>, vector<256x256xf32>
    %get3A_134 = arith.constant 0 : index
    %get3A_135 = arith.constant 0 : index
    %get3A_136 = vector.load %arg9[%get3A_134, %get3A_135] : memref<1x256xf32, #tpu.memory_space<vmem>>, vector<1x256xf32>
    %dot_general3A_137 = arith.constant dense<0.000000e+00> : vector<512x256xf32>
    %dot_general3A_138 = tpu.matmul %max3A_130, %get3A_133, %dot_general3A_137 {dimension_numbers = #tpu.dot_dimension_numbers<[1], [0], [0], [1], [0, 0, 1, 1], [], []>, transpose_lhs_hint = false} : vector<512x256xf32>, vector<256x256xf32>, vector<512x256xf32> -> vector<512x256xf32>
    %add3A_139 = vector.broadcast %get3A_136 : vector<1x256xf32> to vector<512x256xf32>
    %add3A_140 = arith.addf %dot_general3A_138, %add3A_139 : vector<512x256xf32>
    %max3A_141 = arith.constant 0.000000e+00 : f32
    %max3A_142 = vector.broadcast %max3A_141 : f32 to vector<512x256xf32>
    %max3A_143 = arith.maximumf %add3A_140, %max3A_142 : vector<512x256xf32>
    %swap3A = arith.constant 0 : index
    %swap3A_144 = arith.constant 0 : index
    %swap3A_145 = vector.load %arg10[%swap3A, %swap3A_144] : memref<512x256xf32, #tpu.memory_space<vmem>>, vector<512x256xf32>
    tpu.vector_store %arg10[%swap3A, %swap3A_144], %max3A_143 {strides = array<i32>} : memref<512x256xf32, #tpu.memory_space<vmem>>, vector<512x256xf32>,
    return
  }
  func.func @transform_0(%arg0: i32) -> (i32, i32) {
    %c0_i32 = arith.constant 0 : i32
    %c0_i32_0 = arith.constant 0 : i32
    return %arg0, %c0_i32 : i32, i32
  }
  func.func @transform_1(%arg0: i32) -> (i32, i32) {
    %c0_i32 = arith.constant 0 : i32
    %c0_i32_0 = arith.constant 0 : i32
    %c0_i32_1 = arith.constant 0 : i32
    return %c0_i32, %c0_i32_0 : i32, i32
  }
  func.func @transform_2(%arg0: i32) -> (i32, i32) {
    %c0_i32 = arith.constant 0 : i32
    %c0_i32_0 = arith.constant 0 : i32
    %c0_i32_1 = arith.constant 0 : i32
    return %c0_i32, %c0_i32_0 : i32, i32
  }
  func.func @transform_3(%arg0: i32) -> (i32, i32) {
    %c0_i32 = arith.constant 0 : i32
    %c0_i32_0 = arith.constant 0 : i32
    return %arg0, %c0_i32 : i32, i32
  }
  func.func @transform_4(%arg0: i32) -> (i32, i32) {
    %c0_i32 = arith.constant 0 : i32
    %c0_i32_0 = arith.constant 0 : i32
    %c0_i32_1 = arith.constant 0 : i32
    return %c0_i32, %c0_i32_0 : i32, i32
  }
  func.func @transform_5(%arg0: i32) -> (i32, i32) {
    %c0_i32 = arith.constant 0 : i32
    %c0_i32_0 = arith.constant 0 : i32
    %c0_i32_1 = arith.constant 0 : i32
    return %c0_i32, %c0_i32_0 : i32, i32
  }
  func.func @transform_6(%arg0: i32) -> (i32, i32) {
    %c0_i32 = arith.constant 0 : i32
    %c0_i32_0 = arith.constant 0 : i32
    %c0_i32_1 = arith.constant 0 : i32
    return %c0_i32, %c0_i32_0 : i32, i32
  }
  func.func @transform_7(%arg0: i32) -> (i32, i32) {
    %c0_i32 = arith.constant 0 : i32
    %c0_i32_0 = arith.constant 0 : i32
    %c0_i32_1 = arith.constant 0 : i32
    return %c0_i32, %c0_i32_0 : i32, i32
  }
  func.func @transform_8(%arg0: i32) -> (i32, i32) {
    %c0_i32 = arith.constant 0 : i32
    %c0_i32_0 = arith.constant 0 : i32
    %c0_i32_1 = arith.constant 0 : i32
    return %c0_i32, %c0_i32_0 : i32, i32
  }
  func.func @transform_9(%arg0: i32) -> (i32, i32) {
    %c0_i32 = arith.constant 0 : i32
    %c0_i32_0 = arith.constant 0 : i32
    return %arg0, %c0_i32 : i32, i32
  }
}

module attributes {stable_mosaic.version = 14 : i64} {
  func.func @_interp_mlp_body(%arg0: i32, %arg1: memref<512x3xf32, #tpu.memory_space<vmem>>, %arg2: memref<3x512xf32, #tpu.memory_space<vmem>>, %arg3: memref<512x256xf32, #tpu.memory_space<vmem>>, %arg4: memref<512x128xf32, #tpu.memory_space<vmem>>, %arg5: memref<256x256xf32, #tpu.memory_space<vmem>>, %arg6: memref<128x256xf32, #tpu.memory_space<vmem>>, %arg7: memref<1x256xf32, #tpu.memory_space<vmem>>, %arg8: memref<256x128xf32, #tpu.memory_space<vmem>>, %arg9: memref<1x128xf32, #tpu.memory_space<vmem>>, %arg10: memref<512x128xf32, #tpu.memory_space<vmem>>) attributes {dimension_semantics = [#tpu.dimension_semantics<arbitrary>], iteration_bounds = array<i64: 4>, scalar_prefetch = 0 : i64, scratch_operands = 0 : i64, tpu.core_type = #tpu.core_type<tc>, window_params = [{transform_indices = @transform_0, window_bounds = array<i64: 512, 3>}, {pipeline_mode = #tpu.pipeline_mode<synchronous>, transform_indices = @transform_1, window_bounds = array<i64: 3, 512>}, {pipeline_mode = #tpu.pipeline_mode<synchronous>, transform_indices = @transform_2, window_bounds = array<i64: 512, 256>}, {transform_indices = @transform_3, window_bounds = array<i64: 512, 128>}, {pipeline_mode = #tpu.pipeline_mode<synchronous>, transform_indices = @transform_4, window_bounds = array<i64: 256, 256>}, {pipeline_mode = #tpu.pipeline_mode<synchronous>, transform_indices = @transform_5, window_bounds = array<i64: 128, 256>}, {pipeline_mode = #tpu.pipeline_mode<synchronous>, transform_indices = @transform_6, window_bounds = array<i64: 1, 256>}, {pipeline_mode = #tpu.pipeline_mode<synchronous>, transform_indices = @transform_7, window_bounds = array<i64: 256, 128>}, {pipeline_mode = #tpu.pipeline_mode<synchronous>, transform_indices = @transform_8, window_bounds = array<i64: 1, 128>}, {transform_indices = @transform_9, window_bounds = array<i64: 512, 128>}]} {
    %get3A = arith.constant 0 : index
    %get3A_0 = arith.constant 0 : index
    %get3A_1 = vector.load %arg1[%get3A, %get3A_0] : memref<512x3xf32, #tpu.memory_space<vmem>>, vector<512x3xf32>
    %get3A_2 = arith.constant 0 : index
    %get3A_3 = arith.constant 0 : index
    %get3A_4 = vector.load %arg2[%get3A_2, %get3A_3] : memref<3x512xf32, #tpu.memory_space<vmem>>, vector<3x512xf32>
    %dot_general3A = arith.constant dense<0.000000e+00> : vector<512x512xf32>
    %dot_general3A_5 = tpu.matmul %get3A_1, %get3A_4, %dot_general3A {dimension_numbers = #tpu.dot_dimension_numbers<[1], [0], [0], [1], [0, 0, 1, 1], [], []>, transpose_lhs_hint = false} : vector<512x3xf32>, vector<3x512xf32>, vector<512x512xf32> -> vector<512x512xf32>
    %mul3A = arith.mulf %get3A_1, %get3A_1 : vector<512x3xf32>
    %reduce_sum3A = arith.constant dense<0.000000e+00> : vector<512xf32>
    %reduce_sum3A_6 = vector.multi_reduction <add>, %mul3A, %reduce_sum3A [1] : vector<512x3xf32> to vector<512xf32>
    %broadcast_in_dim3A = vector.shape_cast %reduce_sum3A_6 : vector<512xf32> to vector<512x1xf32>
    %mul3A_7 = arith.mulf %get3A_4, %get3A_4 : vector<3x512xf32>
    %reduce_sum3A_8 = arith.constant dense<0.000000e+00> : vector<512xf32>
    %reduce_sum3A_9 = vector.multi_reduction <add>, %mul3A_7, %reduce_sum3A_8 [0] : vector<3x512xf32> to vector<512xf32>
    %broadcast_in_dim3A_10 = vector.shape_cast %reduce_sum3A_9 : vector<512xf32> to vector<1x512xf32>
    %add3A = vector.broadcast %broadcast_in_dim3A : vector<512x1xf32> to vector<512x512xf32>
    %add3A_11 = vector.broadcast %broadcast_in_dim3A_10 : vector<1x512xf32> to vector<512x512xf32>
    %add3A_12 = arith.addf %add3A, %add3A_11 : vector<512x512xf32>
    %mul3A_13 = arith.constant 2.000000e+00 : f32
    %mul3A_14 = vector.broadcast %mul3A_13 : f32 to vector<512x512xf32>
    %mul3A_15 = arith.mulf %mul3A_14, %dot_general3A_5 : vector<512x512xf32>
    %sub3A = arith.subf %add3A_12, %mul3A_15 : vector<512x512xf32>
    %max3A = arith.constant 0.000000e+00 : f32
    %max3A_16 = vector.broadcast %max3A : f32 to vector<512x512xf32>
    %max3A_17 = arith.maximumf %sub3A, %max3A_16 : vector<512x512xf32>
    %iota3A = tpu.iota {dimensions = array<i32: 1>} : vector<512x512xi32>
    %reduce_min3A = arith.constant dense<0x7F800000> : vector<512xf32>
    %reduce_min3A_18 = vector.multi_reduction <minimumf>, %max3A_17, %reduce_min3A [1] : vector<512x512xf32> to vector<512xf32>
    %broadcast_in_dim3A_19 = vector.shape_cast %reduce_min3A_18 : vector<512xf32> to vector<512x1xf32>
    %eq3A = vector.broadcast %broadcast_in_dim3A_19 : vector<512x1xf32> to vector<512x512xf32>
    %eq3A_20 = arith.cmpf oeq, %max3A_17, %eq3A : vector<512x512xf32>
    %jit3A = arith.constant 512 : i32
    %broadcast_in_dim3A_21 = vector.broadcast %jit3A : i32 to vector<512x512xi32>
    %select_n3A = arith.select %eq3A_20, %iota3A, %broadcast_in_dim3A_21 : vector<512x512xi1>, vector<512x512xi32>
    %reduce_min3A_22 = arith.constant dense<2147483647> : vector<512xi32>
    %reduce_min3A_23 = vector.multi_reduction <minsi>, %select_n3A, %reduce_min3A_22 [1] : vector<512x512xi32> to vector<512xi32>
    %broadcast_in_dim3A_24 = vector.shape_cast %reduce_min3A_23 : vector<512xi32> to vector<512x1xi32>
    %eq3A_25 = vector.broadcast %broadcast_in_dim3A_24 : vector<512x1xi32> to vector<512x512xi32>
    %eq3A_26 = arith.cmpi eq, %iota3A, %eq3A_25 : vector<512x512xi32>
    %jit3A_27 = arith.constant 0x7F800000 : f32
    %broadcast_in_dim3A_28 = vector.broadcast %jit3A_27 : f32 to vector<512x512xf32>
    %select_n3A_29 = arith.select %eq3A_26, %broadcast_in_dim3A_28, %max3A_17 : vector<512x512xi1>, vector<512x512xf32>
    %reduce_min3A_30 = arith.constant dense<0x7F800000> : vector<512xf32>
    %reduce_min3A_31 = vector.multi_reduction <minimumf>, %select_n3A_29, %reduce_min3A_30 [1] : vector<512x512xf32> to vector<512xf32>
    %broadcast_in_dim3A_32 = vector.shape_cast %reduce_min3A_31 : vector<512xf32> to vector<512x1xf32>
    %eq3A_33 = vector.broadcast %broadcast_in_dim3A_32 : vector<512x1xf32> to vector<512x512xf32>
    %eq3A_34 = arith.cmpf oeq, %select_n3A_29, %eq3A_33 : vector<512x512xf32>
    %jit3A_35 = arith.constant 512 : i32
    %broadcast_in_dim3A_36 = vector.broadcast %jit3A_35 : i32 to vector<512x512xi32>
    %select_n3A_37 = arith.select %eq3A_34, %iota3A, %broadcast_in_dim3A_36 : vector<512x512xi1>, vector<512x512xi32>
    %reduce_min3A_38 = arith.constant dense<2147483647> : vector<512xi32>
    %reduce_min3A_39 = vector.multi_reduction <minsi>, %select_n3A_37, %reduce_min3A_38 [1] : vector<512x512xi32> to vector<512xi32>
    %broadcast_in_dim3A_40 = vector.shape_cast %reduce_min3A_39 : vector<512xi32> to vector<512x1xi32>
    %eq3A_41 = vector.broadcast %broadcast_in_dim3A_40 : vector<512x1xi32> to vector<512x512xi32>
    %eq3A_42 = arith.cmpi eq, %iota3A, %eq3A_41 : vector<512x512xi32>
    %jit3A_43 = arith.constant 0x7F800000 : f32
    %broadcast_in_dim3A_44 = vector.broadcast %jit3A_43 : f32 to vector<512x512xf32>
    %select_n3A_45 = arith.select %eq3A_42, %broadcast_in_dim3A_44, %select_n3A_29 : vector<512x512xi1>, vector<512x512xf32>
    %reduce_min3A_46 = arith.constant dense<0x7F800000> : vector<512xf32>
    %reduce_min3A_47 = vector.multi_reduction <minimumf>, %select_n3A_45, %reduce_min3A_46 [1] : vector<512x512xf32> to vector<512xf32>
    %broadcast_in_dim3A_48 = vector.shape_cast %reduce_min3A_47 : vector<512xf32> to vector<512x1xf32>
    %eq3A_49 = vector.broadcast %broadcast_in_dim3A_48 : vector<512x1xf32> to vector<512x512xf32>
    %eq3A_50 = arith.cmpf oeq, %select_n3A_45, %eq3A_49 : vector<512x512xf32>
    %jit3A_51 = arith.constant 512 : i32
    %broadcast_in_dim3A_52 = vector.broadcast %jit3A_51 : i32 to vector<512x512xi32>
    %select_n3A_53 = arith.select %eq3A_50, %iota3A, %broadcast_in_dim3A_52 : vector<512x512xi1>, vector<512x512xi32>
    %reduce_min3A_54 = arith.constant dense<2147483647> : vector<512xi32>
    %reduce_min3A_55 = vector.multi_reduction <minsi>, %select_n3A_53, %reduce_min3A_54 [1] : vector<512x512xi32> to vector<512xi32>
    %broadcast_in_dim3A_56 = vector.shape_cast %reduce_min3A_55 : vector<512xi32> to vector<512x1xi32>
    %max3A_57 = arith.constant 1.000000e-16 : f32
    %max3A_58 = vector.broadcast %max3A_57 : f32 to vector<512x1xf32>
    %max3A_59 = arith.maximumf %broadcast_in_dim3A_19, %max3A_58 : vector<512x1xf32>
    %div3A = arith.constant 1.000000e+00 : f32
    %div3A_60 = vector.broadcast %div3A : f32 to vector<512x1xf32>
    %div3A_61 = arith.divf %div3A_60, %max3A_59 : vector<512x1xf32>
    %max3A_62 = arith.constant 1.000000e-16 : f32
    %max3A_63 = vector.broadcast %max3A_62 : f32 to vector<512x1xf32>
    %max3A_64 = arith.maximumf %broadcast_in_dim3A_32, %max3A_63 : vector<512x1xf32>
    %div3A_65 = arith.constant 1.000000e+00 : f32
    %div3A_66 = vector.broadcast %div3A_65 : f32 to vector<512x1xf32>
    %div3A_67 = arith.divf %div3A_66, %max3A_64 : vector<512x1xf32>
    %max3A_68 = arith.constant 1.000000e-16 : f32
    %max3A_69 = vector.broadcast %max3A_68 : f32 to vector<512x1xf32>
    %max3A_70 = arith.maximumf %broadcast_in_dim3A_48, %max3A_69 : vector<512x1xf32>
    %div3A_71 = arith.constant 1.000000e+00 : f32
    %div3A_72 = vector.broadcast %div3A_71 : f32 to vector<512x1xf32>
    %div3A_73 = arith.divf %div3A_72, %max3A_70 : vector<512x1xf32>
    %eq3A_74 = vector.broadcast %broadcast_in_dim3A_24 : vector<512x1xi32> to vector<512x512xi32>
    %eq3A_75 = arith.cmpi eq, %iota3A, %eq3A_74 : vector<512x512xi32>
    %jit3A_76 = arith.constant 0.000000e+00 : f32
    %broadcast_in_dim3A_77 = vector.shape_cast %div3A_61 : vector<512x1xf32> to vector<512x1xf32>
    %broadcast_in_dim3A_78 = vector.broadcast %broadcast_in_dim3A_77 : vector<512x1xf32> to vector<512x512xf32>
    %broadcast_in_dim3A_79 = vector.broadcast %jit3A_76 : f32 to vector<512x512xf32>
    %select_n3A_80 = arith.select %eq3A_75, %broadcast_in_dim3A_78, %broadcast_in_dim3A_79 : vector<512x512xi1>, vector<512x512xf32>
    %eq3A_81 = vector.broadcast %broadcast_in_dim3A_40 : vector<512x1xi32> to vector<512x512xi32>
    %eq3A_82 = arith.cmpi eq, %iota3A, %eq3A_81 : vector<512x512xi32>
    %jit3A_83 = arith.constant 0.000000e+00 : f32
    %broadcast_in_dim3A_84 = vector.shape_cast %div3A_67 : vector<512x1xf32> to vector<512x1xf32>
    %broadcast_in_dim3A_85 = vector.broadcast %broadcast_in_dim3A_84 : vector<512x1xf32> to vector<512x512xf32>
    %broadcast_in_dim3A_86 = vector.broadcast %jit3A_83 : f32 to vector<512x512xf32>
    %select_n3A_87 = arith.select %eq3A_82, %broadcast_in_dim3A_85, %broadcast_in_dim3A_86 : vector<512x512xi1>, vector<512x512xf32>
    %add3A_88 = arith.addf %select_n3A_80, %select_n3A_87 : vector<512x512xf32>
    %eq3A_89 = vector.broadcast %broadcast_in_dim3A_56 : vector<512x1xi32> to vector<512x512xi32>
    %eq3A_90 = arith.cmpi eq, %iota3A, %eq3A_89 : vector<512x512xi32>
    %jit3A_91 = arith.constant 0.000000e+00 : f32
    %broadcast_in_dim3A_92 = vector.shape_cast %div3A_73 : vector<512x1xf32> to vector<512x1xf32>
    %broadcast_in_dim3A_93 = vector.broadcast %broadcast_in_dim3A_92 : vector<512x1xf32> to vector<512x512xf32>
    %broadcast_in_dim3A_94 = vector.broadcast %jit3A_91 : f32 to vector<512x512xf32>
    %select_n3A_95 = arith.select %eq3A_90, %broadcast_in_dim3A_93, %broadcast_in_dim3A_94 : vector<512x512xi1>, vector<512x512xf32>
    %add3A_96 = arith.addf %add3A_88, %select_n3A_95 : vector<512x512xf32>
    %add3A_97 = arith.addf %div3A_61, %div3A_67 : vector<512x1xf32>
    %add3A_98 = arith.addf %add3A_97, %div3A_73 : vector<512x1xf32>
    %get3A_99 = arith.constant 0 : index
    %get3A_100 = arith.constant 0 : index
    %get3A_101 = vector.load %arg3[%get3A_99, %get3A_100] : memref<512x256xf32, #tpu.memory_space<vmem>>, vector<512x256xf32>
    %dot_general3A_102 = arith.constant dense<0.000000e+00> : vector<512x256xf32>
    %dot_general3A_103 = tpu.matmul %add3A_96, %get3A_101, %dot_general3A_102 {dimension_numbers = #tpu.dot_dimension_numbers<[1], [0], [0], [1], [0, 0, 1, 1], [], []>, transpose_lhs_hint = false} : vector<512x512xf32>, vector<512x256xf32>, vector<512x256xf32> -> vector<512x256xf32>
    %div3A_104 = arith.constant 1.000000e+00 : f32
    %div3A_105 = vector.broadcast %div3A_104 : f32 to vector<512x1xf32>
    %div3A_106 = arith.divf %div3A_105, %add3A_98 : vector<512x1xf32>
    %mul3A_107 = vector.broadcast %div3A_106 : vector<512x1xf32> to vector<512x256xf32>
    %mul3A_108 = arith.mulf %dot_general3A_103, %mul3A_107 : vector<512x256xf32>
    %get3A_109 = arith.constant 0 : index
    %get3A_110 = arith.constant 0 : index
    %get3A_111 = vector.load %arg5[%get3A_109, %get3A_110] : memref<256x256xf32, #tpu.memory_space<vmem>>, vector<256x256xf32>
    %get3A_112 = arith.constant 0 : index
    %get3A_113 = arith.constant 0 : index
    %get3A_114 = vector.load %arg6[%get3A_112, %get3A_113] : memref<128x256xf32, #tpu.memory_space<vmem>>, vector<128x256xf32>
    %get3A_115 = arith.constant 0 : index
    %get3A_116 = arith.constant 0 : index
    %get3A_117 = vector.load %arg7[%get3A_115, %get3A_116] : memref<1x256xf32, #tpu.memory_space<vmem>>, vector<1x256xf32>
    %dot_general3A_118 = arith.constant dense<0.000000e+00> : vector<512x256xf32>
    %dot_general3A_119 = tpu.matmul %mul3A_108, %get3A_111, %dot_general3A_118 {dimension_numbers = #tpu.dot_dimension_numbers<[1], [0], [0], [1], [0, 0, 1, 1], [], []>, transpose_lhs_hint = false} : vector<512x256xf32>, vector<256x256xf32>, vector<512x256xf32> -> vector<512x256xf32>
    %get3A_120 = arith.constant 0 : index
    %get3A_121 = arith.constant 0 : index
    %get3A_122 = vector.load %arg4[%get3A_120, %get3A_121] : memref<512x128xf32, #tpu.memory_space<vmem>>, vector<512x128xf32>
    %dot_general3A_123 = arith.constant dense<0.000000e+00> : vector<512x256xf32>
    %dot_general3A_124 = tpu.matmul %get3A_122, %get3A_114, %dot_general3A_123 {dimension_numbers = #tpu.dot_dimension_numbers<[1], [0], [0], [1], [0, 0, 1, 1], [], []>, transpose_lhs_hint = false} : vector<512x128xf32>, vector<128x256xf32>, vector<512x256xf32> -> vector<512x256xf32>
    %add3A_125 = arith.addf %dot_general3A_119, %dot_general3A_124 : vector<512x256xf32>
    %add3A_126 = vector.broadcast %get3A_117 : vector<1x256xf32> to vector<512x256xf32>
    %add3A_127 = arith.addf %add3A_125, %add3A_126 : vector<512x256xf32>
    %max3A_128 = arith.constant 0.000000e+00 : f32
    %max3A_129 = vector.broadcast %max3A_128 : f32 to vector<512x256xf32>
    %max3A_130 = arith.maximumf %add3A_127, %max3A_129 : vector<512x256xf32>
    %get3A_131 = arith.constant 0 : index
    %get3A_132 = arith.constant 0 : index
    %get3A_133 = vector.load %arg8[%get3A_131, %get3A_132] : memref<256x128xf32, #tpu.memory_space<vmem>>, vector<256x128xf32>
    %get3A_134 = arith.constant 0 : index
    %get3A_135 = arith.constant 0 : index
    %get3A_136 = vector.load %arg9[%get3A_134, %get3A_135] : memref<1x128xf32, #tpu.memory_space<vmem>>, vector<1x128xf32>
    %dot_general3A_137 = arith.constant dense<0.000000e+00> : vector<512x128xf32>
    %dot_general3A_138 = tpu.matmul %max3A_130, %get3A_133, %dot_general3A_137 {dimension_numbers = #tpu.dot_dimension_numbers<[1], [0], [0], [1], [0, 0, 1, 1], [], []>, transpose_lhs_hint = false} : vector<512x256xf32>, vector<256x128xf32>, vector<512x128xf32> -> vector<512x128xf32>
    %add3A_139 = vector.broadcast %get3A_136 : vector<1x128xf32> to vector<512x128xf32>
    %add3A_140 = arith.addf %dot_general3A_138, %add3A_139 : vector<512x128xf32>
    %max3A_141 = arith.constant 0.000000e+00 : f32
    %max3A_142 = vector.broadcast %max3A_141 : f32 to vector<512x128xf32>
    %max3A_143 = arith.maximumf %add3A_140, %max3A_142 : vector<512x128xf32>
    %swap3A = arith.constant 0 : index
    %swap3A_144 = arith.constant 0 : index
    %swap3A_145 = vector.load %arg10[%swap3A, %swap3A_144] : memref<512x128xf32, #tpu.memory_space<vmem>>, vector<512x128xf32>
    tpu.vector_store %arg10[%swap3A, %swap3A_144], %max3A_143 {strides = array<i32>} : memref<512x128xf32, #tpu.memory_space<vmem>>, vector<512x128xf32>,
    return
  }
  func.func @transform_0(%arg0: i32) -> (i32, i32) {
    %c0_i32 = arith.constant 0 : i32
    %c0_i32_0 = arith.constant 0 : i32
    return %arg0, %c0_i32 : i32, i32
  }
  func.func @transform_1(%arg0: i32) -> (i32, i32) {
    %c0_i32 = arith.constant 0 : i32
    %c0_i32_0 = arith.constant 0 : i32
    %c0_i32_1 = arith.constant 0 : i32
    return %c0_i32, %c0_i32_0 : i32, i32
  }
  func.func @transform_2(%arg0: i32) -> (i32, i32) {
    %c0_i32 = arith.constant 0 : i32
    %c0_i32_0 = arith.constant 0 : i32
    %c0_i32_1 = arith.constant 0 : i32
    return %c0_i32, %c0_i32_0 : i32, i32
  }
  func.func @transform_3(%arg0: i32) -> (i32, i32) {
    %c0_i32 = arith.constant 0 : i32
    %c0_i32_0 = arith.constant 0 : i32
    return %arg0, %c0_i32 : i32, i32
  }
  func.func @transform_4(%arg0: i32) -> (i32, i32) {
    %c0_i32 = arith.constant 0 : i32
    %c0_i32_0 = arith.constant 0 : i32
    %c0_i32_1 = arith.constant 0 : i32
    return %c0_i32, %c0_i32_0 : i32, i32
  }
  func.func @transform_5(%arg0: i32) -> (i32, i32) {
    %c0_i32 = arith.constant 0 : i32
    %c0_i32_0 = arith.constant 0 : i32
    %c0_i32_1 = arith.constant 0 : i32
    return %c0_i32, %c0_i32_0 : i32, i32
  }
  func.func @transform_6(%arg0: i32) -> (i32, i32) {
    %c0_i32 = arith.constant 0 : i32
    %c0_i32_0 = arith.constant 0 : i32
    %c0_i32_1 = arith.constant 0 : i32
    return %c0_i32, %c0_i32_0 : i32, i32
  }
  func.func @transform_7(%arg0: i32) -> (i32, i32) {
    %c0_i32 = arith.constant 0 : i32
    %c0_i32_0 = arith.constant 0 : i32
    %c0_i32_1 = arith.constant 0 : i32
    return %c0_i32, %c0_i32_0 : i32, i32
  }
  func.func @transform_8(%arg0: i32) -> (i32, i32) {
    %c0_i32 = arith.constant 0 : i32
    %c0_i32_0 = arith.constant 0 : i32
    %c0_i32_1 = arith.constant 0 : i32
    return %c0_i32, %c0_i32_0 : i32, i32
  }
  func.func @transform_9(%arg0: i32) -> (i32, i32) {
    %c0_i32 = arith.constant 0 : i32
    %c0_i32_0 = arith.constant 0 : i32
    return %arg0, %c0_i32 : i32, i32
  }
}

module attributes {stable_mosaic.version = 14 : i64} {
  func.func @_interp_mlp_body(%arg0: i32, %arg1: memref<512x3xf32, #tpu.memory_space<vmem>>, %arg2: memref<3x2048xf32, #tpu.memory_space<vmem>>, %arg3: memref<2048x128xf32, #tpu.memory_space<vmem>>, %arg4: memref<512x6xf32, #tpu.memory_space<vmem>>, %arg5: memref<128x128xf32, #tpu.memory_space<vmem>>, %arg6: memref<6x128xf32, #tpu.memory_space<vmem>>, %arg7: memref<1x128xf32, #tpu.memory_space<vmem>>, %arg8: memref<128x128xf32, #tpu.memory_space<vmem>>, %arg9: memref<1x128xf32, #tpu.memory_space<vmem>>, %arg10: memref<128x128xf32, #tpu.memory_space<vmem>>, %arg11: memref<1x128xf32, #tpu.memory_space<vmem>>, %arg12: memref<128x64xf32, #tpu.memory_space<vmem>>, %arg13: memref<1x64xf32, #tpu.memory_space<vmem>>, %arg14: memref<64x1xf32, #tpu.memory_space<vmem>>, %arg15: memref<1x1xf32, #tpu.memory_space<vmem>>, %arg16: memref<512x1xf32, #tpu.memory_space<vmem>>) attributes {dimension_semantics = [#tpu.dimension_semantics<arbitrary>], iteration_bounds = array<i64: 16>, scalar_prefetch = 0 : i64, scratch_operands = 0 : i64, tpu.core_type = #tpu.core_type<tc>, window_params = [{transform_indices = @transform_0, window_bounds = array<i64: 512, 3>}, {pipeline_mode = #tpu.pipeline_mode<synchronous>, transform_indices = @transform_1, window_bounds = array<i64: 3, 2048>}, {pipeline_mode = #tpu.pipeline_mode<synchronous>, transform_indices = @transform_2, window_bounds = array<i64: 2048, 128>}, {transform_indices = @transform_3, window_bounds = array<i64: 512, 6>}, {pipeline_mode = #tpu.pipeline_mode<synchronous>, transform_indices = @transform_4, window_bounds = array<i64: 128, 128>}, {pipeline_mode = #tpu.pipeline_mode<synchronous>, transform_indices = @transform_5, window_bounds = array<i64: 6, 128>}, {pipeline_mode = #tpu.pipeline_mode<synchronous>, transform_indices = @transform_6, window_bounds = array<i64: 1, 128>}, {pipeline_mode = #tpu.pipeline_mode<synchronous>, transform_indices = @transform_7, window_bounds = array<i64: 128, 128>}, {pipeline_mode = #tpu.pipeline_mode<synchronous>, transform_indices = @transform_8, window_bounds = array<i64: 1, 128>}, {pipeline_mode = #tpu.pipeline_mode<synchronous>, transform_indices = @transform_9, window_bounds = array<i64: 128, 128>}, {pipeline_mode = #tpu.pipeline_mode<synchronous>, transform_indices = @transform_10, window_bounds = array<i64: 1, 128>}, {pipeline_mode = #tpu.pipeline_mode<synchronous>, transform_indices = @transform_11, window_bounds = array<i64: 128, 64>}, {pipeline_mode = #tpu.pipeline_mode<synchronous>, transform_indices = @transform_12, window_bounds = array<i64: 1, 64>}, {pipeline_mode = #tpu.pipeline_mode<synchronous>, transform_indices = @transform_13, window_bounds = array<i64: 64, 1>}, {pipeline_mode = #tpu.pipeline_mode<synchronous>, transform_indices = @transform_14, window_bounds = array<i64: 1, 1>}, {transform_indices = @transform_15, window_bounds = array<i64: 512, 1>}]} {
    %get3A = arith.constant 0 : index
    %get3A_0 = arith.constant 0 : index
    %get3A_1 = vector.load %arg1[%get3A, %get3A_0] : memref<512x3xf32, #tpu.memory_space<vmem>>, vector<512x3xf32>
    %get3A_2 = arith.constant 0 : index
    %get3A_3 = arith.constant 0 : index
    %get3A_4 = vector.load %arg2[%get3A_2, %get3A_3] : memref<3x2048xf32, #tpu.memory_space<vmem>>, vector<3x2048xf32>
    %dot_general3A = arith.constant dense<0.000000e+00> : vector<512x2048xf32>
    %dot_general3A_5 = tpu.matmul %get3A_1, %get3A_4, %dot_general3A {dimension_numbers = #tpu.dot_dimension_numbers<[1], [0], [0], [1], [0, 0, 1, 1], [], []>, transpose_lhs_hint = false} : vector<512x3xf32>, vector<3x2048xf32>, vector<512x2048xf32> -> vector<512x2048xf32>
    %mul3A = arith.mulf %get3A_1, %get3A_1 : vector<512x3xf32>
    %reduce_sum3A = arith.constant dense<0.000000e+00> : vector<512xf32>
    %reduce_sum3A_6 = vector.multi_reduction <add>, %mul3A, %reduce_sum3A [1] : vector<512x3xf32> to vector<512xf32>
    %broadcast_in_dim3A = vector.shape_cast %reduce_sum3A_6 : vector<512xf32> to vector<512x1xf32>
    %mul3A_7 = arith.mulf %get3A_4, %get3A_4 : vector<3x2048xf32>
    %reduce_sum3A_8 = arith.constant dense<0.000000e+00> : vector<2048xf32>
    %reduce_sum3A_9 = vector.multi_reduction <add>, %mul3A_7, %reduce_sum3A_8 [0] : vector<3x2048xf32> to vector<2048xf32>
    %broadcast_in_dim3A_10 = vector.shape_cast %reduce_sum3A_9 : vector<2048xf32> to vector<1x2048xf32>
    %add3A = vector.broadcast %broadcast_in_dim3A : vector<512x1xf32> to vector<512x2048xf32>
    %add3A_11 = vector.broadcast %broadcast_in_dim3A_10 : vector<1x2048xf32> to vector<512x2048xf32>
    %add3A_12 = arith.addf %add3A, %add3A_11 : vector<512x2048xf32>
    %mul3A_13 = arith.constant 2.000000e+00 : f32
    %mul3A_14 = vector.broadcast %mul3A_13 : f32 to vector<512x2048xf32>
    %mul3A_15 = arith.mulf %mul3A_14, %dot_general3A_5 : vector<512x2048xf32>
    %sub3A = arith.subf %add3A_12, %mul3A_15 : vector<512x2048xf32>
    %max3A = arith.constant 0.000000e+00 : f32
    %max3A_16 = vector.broadcast %max3A : f32 to vector<512x2048xf32>
    %max3A_17 = arith.maximumf %sub3A, %max3A_16 : vector<512x2048xf32>
    %iota3A = tpu.iota {dimensions = array<i32: 1>} : vector<512x2048xi32>
    %reduce_min3A = arith.constant dense<0x7F800000> : vector<512xf32>
    %reduce_min3A_18 = vector.multi_reduction <minimumf>, %max3A_17, %reduce_min3A [1] : vector<512x2048xf32> to vector<512xf32>
    %broadcast_in_dim3A_19 = vector.shape_cast %reduce_min3A_18 : vector<512xf32> to vector<512x1xf32>
    %eq3A = vector.broadcast %broadcast_in_dim3A_19 : vector<512x1xf32> to vector<512x2048xf32>
    %eq3A_20 = arith.cmpf oeq, %max3A_17, %eq3A : vector<512x2048xf32>
    %jit3A = arith.constant 2048 : i32
    %broadcast_in_dim3A_21 = vector.broadcast %jit3A : i32 to vector<512x2048xi32>
    %select_n3A = arith.select %eq3A_20, %iota3A, %broadcast_in_dim3A_21 : vector<512x2048xi1>, vector<512x2048xi32>
    %reduce_min3A_22 = arith.constant dense<2147483647> : vector<512xi32>
    %reduce_min3A_23 = vector.multi_reduction <minsi>, %select_n3A, %reduce_min3A_22 [1] : vector<512x2048xi32> to vector<512xi32>
    %broadcast_in_dim3A_24 = vector.shape_cast %reduce_min3A_23 : vector<512xi32> to vector<512x1xi32>
    %eq3A_25 = vector.broadcast %broadcast_in_dim3A_24 : vector<512x1xi32> to vector<512x2048xi32>
    %eq3A_26 = arith.cmpi eq, %iota3A, %eq3A_25 : vector<512x2048xi32>
    %jit3A_27 = arith.constant 0x7F800000 : f32
    %broadcast_in_dim3A_28 = vector.broadcast %jit3A_27 : f32 to vector<512x2048xf32>
    %select_n3A_29 = arith.select %eq3A_26, %broadcast_in_dim3A_28, %max3A_17 : vector<512x2048xi1>, vector<512x2048xf32>
    %reduce_min3A_30 = arith.constant dense<0x7F800000> : vector<512xf32>
    %reduce_min3A_31 = vector.multi_reduction <minimumf>, %select_n3A_29, %reduce_min3A_30 [1] : vector<512x2048xf32> to vector<512xf32>
    %broadcast_in_dim3A_32 = vector.shape_cast %reduce_min3A_31 : vector<512xf32> to vector<512x1xf32>
    %eq3A_33 = vector.broadcast %broadcast_in_dim3A_32 : vector<512x1xf32> to vector<512x2048xf32>
    %eq3A_34 = arith.cmpf oeq, %select_n3A_29, %eq3A_33 : vector<512x2048xf32>
    %jit3A_35 = arith.constant 2048 : i32
    %broadcast_in_dim3A_36 = vector.broadcast %jit3A_35 : i32 to vector<512x2048xi32>
    %select_n3A_37 = arith.select %eq3A_34, %iota3A, %broadcast_in_dim3A_36 : vector<512x2048xi1>, vector<512x2048xi32>
    %reduce_min3A_38 = arith.constant dense<2147483647> : vector<512xi32>
    %reduce_min3A_39 = vector.multi_reduction <minsi>, %select_n3A_37, %reduce_min3A_38 [1] : vector<512x2048xi32> to vector<512xi32>
    %broadcast_in_dim3A_40 = vector.shape_cast %reduce_min3A_39 : vector<512xi32> to vector<512x1xi32>
    %eq3A_41 = vector.broadcast %broadcast_in_dim3A_40 : vector<512x1xi32> to vector<512x2048xi32>
    %eq3A_42 = arith.cmpi eq, %iota3A, %eq3A_41 : vector<512x2048xi32>
    %jit3A_43 = arith.constant 0x7F800000 : f32
    %broadcast_in_dim3A_44 = vector.broadcast %jit3A_43 : f32 to vector<512x2048xf32>
    %select_n3A_45 = arith.select %eq3A_42, %broadcast_in_dim3A_44, %select_n3A_29 : vector<512x2048xi1>, vector<512x2048xf32>
    %reduce_min3A_46 = arith.constant dense<0x7F800000> : vector<512xf32>
    %reduce_min3A_47 = vector.multi_reduction <minimumf>, %select_n3A_45, %reduce_min3A_46 [1] : vector<512x2048xf32> to vector<512xf32>
    %broadcast_in_dim3A_48 = vector.shape_cast %reduce_min3A_47 : vector<512xf32> to vector<512x1xf32>
    %eq3A_49 = vector.broadcast %broadcast_in_dim3A_48 : vector<512x1xf32> to vector<512x2048xf32>
    %eq3A_50 = arith.cmpf oeq, %select_n3A_45, %eq3A_49 : vector<512x2048xf32>
    %jit3A_51 = arith.constant 2048 : i32
    %broadcast_in_dim3A_52 = vector.broadcast %jit3A_51 : i32 to vector<512x2048xi32>
    %select_n3A_53 = arith.select %eq3A_50, %iota3A, %broadcast_in_dim3A_52 : vector<512x2048xi1>, vector<512x2048xi32>
    %reduce_min3A_54 = arith.constant dense<2147483647> : vector<512xi32>
    %reduce_min3A_55 = vector.multi_reduction <minsi>, %select_n3A_53, %reduce_min3A_54 [1] : vector<512x2048xi32> to vector<512xi32>
    %broadcast_in_dim3A_56 = vector.shape_cast %reduce_min3A_55 : vector<512xi32> to vector<512x1xi32>
    %max3A_57 = arith.constant 1.000000e-16 : f32
    %max3A_58 = vector.broadcast %max3A_57 : f32 to vector<512x1xf32>
    %max3A_59 = arith.maximumf %broadcast_in_dim3A_19, %max3A_58 : vector<512x1xf32>
    %div3A = arith.constant 1.000000e+00 : f32
    %div3A_60 = vector.broadcast %div3A : f32 to vector<512x1xf32>
    %div3A_61 = arith.divf %div3A_60, %max3A_59 : vector<512x1xf32>
    %max3A_62 = arith.constant 1.000000e-16 : f32
    %max3A_63 = vector.broadcast %max3A_62 : f32 to vector<512x1xf32>
    %max3A_64 = arith.maximumf %broadcast_in_dim3A_32, %max3A_63 : vector<512x1xf32>
    %div3A_65 = arith.constant 1.000000e+00 : f32
    %div3A_66 = vector.broadcast %div3A_65 : f32 to vector<512x1xf32>
    %div3A_67 = arith.divf %div3A_66, %max3A_64 : vector<512x1xf32>
    %max3A_68 = arith.constant 1.000000e-16 : f32
    %max3A_69 = vector.broadcast %max3A_68 : f32 to vector<512x1xf32>
    %max3A_70 = arith.maximumf %broadcast_in_dim3A_48, %max3A_69 : vector<512x1xf32>
    %div3A_71 = arith.constant 1.000000e+00 : f32
    %div3A_72 = vector.broadcast %div3A_71 : f32 to vector<512x1xf32>
    %div3A_73 = arith.divf %div3A_72, %max3A_70 : vector<512x1xf32>
    %eq3A_74 = vector.broadcast %broadcast_in_dim3A_24 : vector<512x1xi32> to vector<512x2048xi32>
    %eq3A_75 = arith.cmpi eq, %iota3A, %eq3A_74 : vector<512x2048xi32>
    %jit3A_76 = arith.constant 0.000000e+00 : f32
    %broadcast_in_dim3A_77 = vector.shape_cast %div3A_61 : vector<512x1xf32> to vector<512x1xf32>
    %broadcast_in_dim3A_78 = vector.broadcast %broadcast_in_dim3A_77 : vector<512x1xf32> to vector<512x2048xf32>
    %broadcast_in_dim3A_79 = vector.broadcast %jit3A_76 : f32 to vector<512x2048xf32>
    %select_n3A_80 = arith.select %eq3A_75, %broadcast_in_dim3A_78, %broadcast_in_dim3A_79 : vector<512x2048xi1>, vector<512x2048xf32>
    %eq3A_81 = vector.broadcast %broadcast_in_dim3A_40 : vector<512x1xi32> to vector<512x2048xi32>
    %eq3A_82 = arith.cmpi eq, %iota3A, %eq3A_81 : vector<512x2048xi32>
    %jit3A_83 = arith.constant 0.000000e+00 : f32
    %broadcast_in_dim3A_84 = vector.shape_cast %div3A_67 : vector<512x1xf32> to vector<512x1xf32>
    %broadcast_in_dim3A_85 = vector.broadcast %broadcast_in_dim3A_84 : vector<512x1xf32> to vector<512x2048xf32>
    %broadcast_in_dim3A_86 = vector.broadcast %jit3A_83 : f32 to vector<512x2048xf32>
    %select_n3A_87 = arith.select %eq3A_82, %broadcast_in_dim3A_85, %broadcast_in_dim3A_86 : vector<512x2048xi1>, vector<512x2048xf32>
    %add3A_88 = arith.addf %select_n3A_80, %select_n3A_87 : vector<512x2048xf32>
    %eq3A_89 = vector.broadcast %broadcast_in_dim3A_56 : vector<512x1xi32> to vector<512x2048xi32>
    %eq3A_90 = arith.cmpi eq, %iota3A, %eq3A_89 : vector<512x2048xi32>
    %jit3A_91 = arith.constant 0.000000e+00 : f32
    %broadcast_in_dim3A_92 = vector.shape_cast %div3A_73 : vector<512x1xf32> to vector<512x1xf32>
    %broadcast_in_dim3A_93 = vector.broadcast %broadcast_in_dim3A_92 : vector<512x1xf32> to vector<512x2048xf32>
    %broadcast_in_dim3A_94 = vector.broadcast %jit3A_91 : f32 to vector<512x2048xf32>
    %select_n3A_95 = arith.select %eq3A_90, %broadcast_in_dim3A_93, %broadcast_in_dim3A_94 : vector<512x2048xi1>, vector<512x2048xf32>
    %add3A_96 = arith.addf %add3A_88, %select_n3A_95 : vector<512x2048xf32>
    %add3A_97 = arith.addf %div3A_61, %div3A_67 : vector<512x1xf32>
    %add3A_98 = arith.addf %add3A_97, %div3A_73 : vector<512x1xf32>
    %get3A_99 = arith.constant 0 : index
    %get3A_100 = arith.constant 0 : index
    %get3A_101 = vector.load %arg3[%get3A_99, %get3A_100] : memref<2048x128xf32, #tpu.memory_space<vmem>>, vector<2048x128xf32>
    %dot_general3A_102 = arith.constant dense<0.000000e+00> : vector<512x128xf32>
    %dot_general3A_103 = tpu.matmul %add3A_96, %get3A_101, %dot_general3A_102 {dimension_numbers = #tpu.dot_dimension_numbers<[1], [0], [0], [1], [0, 0, 1, 1], [], []>, transpose_lhs_hint = false} : vector<512x2048xf32>, vector<2048x128xf32>, vector<512x128xf32> -> vector<512x128xf32>
    %div3A_104 = arith.constant 1.000000e+00 : f32
    %div3A_105 = vector.broadcast %div3A_104 : f32 to vector<512x1xf32>
    %div3A_106 = arith.divf %div3A_105, %add3A_98 : vector<512x1xf32>
    %mul3A_107 = vector.broadcast %div3A_106 : vector<512x1xf32> to vector<512x128xf32>
    %mul3A_108 = arith.mulf %dot_general3A_103, %mul3A_107 : vector<512x128xf32>
    %get3A_109 = arith.constant 0 : index
    %get3A_110 = arith.constant 0 : index
    %get3A_111 = vector.load %arg5[%get3A_109, %get3A_110] : memref<128x128xf32, #tpu.memory_space<vmem>>, vector<128x128xf32>
    %get3A_112 = arith.constant 0 : index
    %get3A_113 = arith.constant 0 : index
    %get3A_114 = vector.load %arg6[%get3A_112, %get3A_113] : memref<6x128xf32, #tpu.memory_space<vmem>>, vector<6x128xf32>
    %get3A_115 = arith.constant 0 : index
    %get3A_116 = arith.constant 0 : index
    %get3A_117 = vector.load %arg7[%get3A_115, %get3A_116] : memref<1x128xf32, #tpu.memory_space<vmem>>, vector<1x128xf32>
    %dot_general3A_118 = arith.constant dense<0.000000e+00> : vector<512x128xf32>
    %dot_general3A_119 = tpu.matmul %mul3A_108, %get3A_111, %dot_general3A_118 {dimension_numbers = #tpu.dot_dimension_numbers<[1], [0], [0], [1], [0, 0, 1, 1], [], []>, transpose_lhs_hint = false} : vector<512x128xf32>, vector<128x128xf32>, vector<512x128xf32> -> vector<512x128xf32>
    %get3A_120 = arith.constant 0 : index
    %get3A_121 = arith.constant 0 : index
    %get3A_122 = vector.load %arg4[%get3A_120, %get3A_121] : memref<512x6xf32, #tpu.memory_space<vmem>>, vector<512x6xf32>
    %dot_general3A_123 = arith.constant dense<0.000000e+00> : vector<512x128xf32>
    %dot_general3A_124 = tpu.matmul %get3A_122, %get3A_114, %dot_general3A_123 {dimension_numbers = #tpu.dot_dimension_numbers<[1], [0], [0], [1], [0, 0, 1, 1], [], []>, transpose_lhs_hint = false} : vector<512x6xf32>, vector<6x128xf32>, vector<512x128xf32> -> vector<512x128xf32>
    %add3A_125 = arith.addf %dot_general3A_119, %dot_general3A_124 : vector<512x128xf32>
    %add3A_126 = vector.broadcast %get3A_117 : vector<1x128xf32> to vector<512x128xf32>
    %add3A_127 = arith.addf %add3A_125, %add3A_126 : vector<512x128xf32>
    %max3A_128 = arith.constant 0.000000e+00 : f32
    %max3A_129 = vector.broadcast %max3A_128 : f32 to vector<512x128xf32>
    %max3A_130 = arith.maximumf %add3A_127, %max3A_129 : vector<512x128xf32>
    %get3A_131 = arith.constant 0 : index
    %get3A_132 = arith.constant 0 : index
    %get3A_133 = vector.load %arg8[%get3A_131, %get3A_132] : memref<128x128xf32, #tpu.memory_space<vmem>>, vector<128x128xf32>
    %get3A_134 = arith.constant 0 : index
    %get3A_135 = arith.constant 0 : index
    %get3A_136 = vector.load %arg9[%get3A_134, %get3A_135] : memref<1x128xf32, #tpu.memory_space<vmem>>, vector<1x128xf32>
    %dot_general3A_137 = arith.constant dense<0.000000e+00> : vector<512x128xf32>
    %dot_general3A_138 = tpu.matmul %max3A_130, %get3A_133, %dot_general3A_137 {dimension_numbers = #tpu.dot_dimension_numbers<[1], [0], [0], [1], [0, 0, 1, 1], [], []>, transpose_lhs_hint = false} : vector<512x128xf32>, vector<128x128xf32>, vector<512x128xf32> -> vector<512x128xf32>
    %add3A_139 = vector.broadcast %get3A_136 : vector<1x128xf32> to vector<512x128xf32>
    %add3A_140 = arith.addf %dot_general3A_138, %add3A_139 : vector<512x128xf32>
    %max3A_141 = arith.constant 0.000000e+00 : f32
    %max3A_142 = vector.broadcast %max3A_141 : f32 to vector<512x128xf32>
    %max3A_143 = arith.maximumf %add3A_140, %max3A_142 : vector<512x128xf32>
    %get3A_144 = arith.constant 0 : index
    %get3A_145 = arith.constant 0 : index
    %get3A_146 = vector.load %arg10[%get3A_144, %get3A_145] : memref<128x128xf32, #tpu.memory_space<vmem>>, vector<128x128xf32>
    %get3A_147 = arith.constant 0 : index
    %get3A_148 = arith.constant 0 : index
    %get3A_149 = vector.load %arg11[%get3A_147, %get3A_148] : memref<1x128xf32, #tpu.memory_space<vmem>>, vector<1x128xf32>
    %dot_general3A_150 = arith.constant dense<0.000000e+00> : vector<512x128xf32>
    %dot_general3A_151 = tpu.matmul %max3A_143, %get3A_146, %dot_general3A_150 {dimension_numbers = #tpu.dot_dimension_numbers<[1], [0], [0], [1], [0, 0, 1, 1], [], []>, transpose_lhs_hint = false} : vector<512x128xf32>, vector<128x128xf32>, vector<512x128xf32> -> vector<512x128xf32>
    %add3A_152 = vector.broadcast %get3A_149 : vector<1x128xf32> to vector<512x128xf32>
    %add3A_153 = arith.addf %dot_general3A_151, %add3A_152 : vector<512x128xf32>
    %max3A_154 = arith.constant 0.000000e+00 : f32
    %max3A_155 = vector.broadcast %max3A_154 : f32 to vector<512x128xf32>
    %max3A_156 = arith.maximumf %add3A_153, %max3A_155 : vector<512x128xf32>
    %get3A_157 = arith.constant 0 : index
    %get3A_158 = arith.constant 0 : index
    %get3A_159 = vector.load %arg12[%get3A_157, %get3A_158] : memref<128x64xf32, #tpu.memory_space<vmem>>, vector<128x64xf32>
    %get3A_160 = arith.constant 0 : index
    %get3A_161 = arith.constant 0 : index
    %get3A_162 = vector.load %arg13[%get3A_160, %get3A_161] : memref<1x64xf32, #tpu.memory_space<vmem>>, vector<1x64xf32>
    %dot_general3A_163 = arith.constant dense<0.000000e+00> : vector<512x64xf32>
    %dot_general3A_164 = tpu.matmul %max3A_156, %get3A_159, %dot_general3A_163 {dimension_numbers = #tpu.dot_dimension_numbers<[1], [0], [0], [1], [0, 0, 1, 1], [], []>, transpose_lhs_hint = false} : vector<512x128xf32>, vector<128x64xf32>, vector<512x64xf32> -> vector<512x64xf32>
    %add3A_165 = vector.broadcast %get3A_162 : vector<1x64xf32> to vector<512x64xf32>
    %add3A_166 = arith.addf %dot_general3A_164, %add3A_165 : vector<512x64xf32>
    %max3A_167 = arith.constant 0.000000e+00 : f32
    %max3A_168 = vector.broadcast %max3A_167 : f32 to vector<512x64xf32>
    %max3A_169 = arith.maximumf %add3A_166, %max3A_168 : vector<512x64xf32>
    %get3A_170 = arith.constant 0 : index
    %get3A_171 = arith.constant 0 : index
    %get3A_172 = vector.load %arg14[%get3A_170, %get3A_171] : memref<64x1xf32, #tpu.memory_space<vmem>>, vector<64x1xf32>
    %get3A_173 = arith.constant 0 : index
    %get3A_174 = arith.constant 0 : index
    %get3A_175 = vector.load %arg15[%get3A_173, %get3A_174] : memref<1x1xf32, #tpu.memory_space<vmem>>, vector<1x1xf32>
    %dot_general3A_176 = arith.constant dense<0.000000e+00> : vector<512x1xf32>
    %dot_general3A_177 = tpu.matmul %max3A_169, %get3A_172, %dot_general3A_176 {dimension_numbers = #tpu.dot_dimension_numbers<[1], [0], [0], [1], [0, 0, 1, 1], [], []>, transpose_lhs_hint = false} : vector<512x64xf32>, vector<64x1xf32>, vector<512x1xf32> -> vector<512x1xf32>
    %add3A_178 = vector.broadcast %get3A_175 : vector<1x1xf32> to vector<512x1xf32>
    %add3A_179 = arith.addf %dot_general3A_177, %add3A_178 : vector<512x1xf32>
    %max3A_180 = arith.constant 0.000000e+00 : f32
    %max3A_181 = vector.broadcast %max3A_180 : f32 to vector<512x1xf32>
    %max3A_182 = arith.maximumf %add3A_179, %max3A_181 : vector<512x1xf32>
    %abs3A = math.absf %add3A_179 : vector<512x1xf32>
    %neg3A = arith.constant 0.000000e+00 : f32
    %neg3A_183 = vector.broadcast %neg3A : f32 to vector<512x1xf32>
    %neg3A_184 = arith.subf %neg3A_183, %abs3A : vector<512x1xf32>
    %exp3A = math.exp %neg3A_184 : vector<512x1xf32>
    %log1p3A = math.log1p %exp3A : vector<512x1xf32>
    %add3A_185 = arith.addf %max3A_182, %log1p3A : vector<512x1xf32>
    %swap3A = arith.constant 0 : index
    %swap3A_186 = arith.constant 0 : index
    %swap3A_187 = vector.load %arg16[%swap3A, %swap3A_186] : memref<512x1xf32, #tpu.memory_space<vmem>>, vector<512x1xf32>
    tpu.vector_store %arg16[%swap3A, %swap3A_186], %add3A_185 {strides = array<i32>} : memref<512x1xf32, #tpu.memory_space<vmem>>, vector<512x1xf32>,
    return
  }
  func.func @transform_0(%arg0: i32) -> (i32, i32) {
    %c0_i32 = arith.constant 0 : i32
    %c0_i32_0 = arith.constant 0 : i32
    return %arg0, %c0_i32 : i32, i32
  }
  func.func @transform_1(%arg0: i32) -> (i32, i32) {
    %c0_i32 = arith.constant 0 : i32
    %c0_i32_0 = arith.constant 0 : i32
    %c0_i32_1 = arith.constant 0 : i32
    return %c0_i32, %c0_i32_0 : i32, i32
  }
  func.func @transform_2(%arg0: i32) -> (i32, i32) {
    %c0_i32 = arith.constant 0 : i32
    %c0_i32_0 = arith.constant 0 : i32
    %c0_i32_1 = arith.constant 0 : i32
    return %c0_i32, %c0_i32_0 : i32, i32
  }
  func.func @transform_3(%arg0: i32) -> (i32, i32) {
    %c0_i32 = arith.constant 0 : i32
    %c0_i32_0 = arith.constant 0 : i32
    return %arg0, %c0_i32 : i32, i32
  }
  func.func @transform_4(%arg0: i32) -> (i32, i32) {
    %c0_i32 = arith.constant 0 : i32
    %c0_i32_0 = arith.constant 0 : i32
    %c0_i32_1 = arith.constant 0 : i32
    return %c0_i32, %c0_i32_0 : i32, i32
  }
  func.func @transform_5(%arg0: i32) -> (i32, i32) {
    %c0_i32 = arith.constant 0 : i32
    %c0_i32_0 = arith.constant 0 : i32
    %c0_i32_1 = arith.constant 0 : i32
    return %c0_i32, %c0_i32_0 : i32, i32
  }
  func.func @transform_6(%arg0: i32) -> (i32, i32) {
    %c0_i32 = arith.constant 0 : i32
    %c0_i32_0 = arith.constant 0 : i32
    %c0_i32_1 = arith.constant 0 : i32
    return %c0_i32, %c0_i32_0 : i32, i32
  }
  func.func @transform_7(%arg0: i32) -> (i32, i32) {
    %c0_i32 = arith.constant 0 : i32
    %c0_i32_0 = arith.constant 0 : i32
    %c0_i32_1 = arith.constant 0 : i32
    return %c0_i32, %c0_i32_0 : i32, i32
  }
  func.func @transform_8(%arg0: i32) -> (i32, i32) {
    %c0_i32 = arith.constant 0 : i32
    %c0_i32_0 = arith.constant 0 : i32
    %c0_i32_1 = arith.constant 0 : i32
    return %c0_i32, %c0_i32_0 : i32, i32
  }
  func.func @transform_9(%arg0: i32) -> (i32, i32) {
    %c0_i32 = arith.constant 0 : i32
    %c0_i32_0 = arith.constant 0 : i32
    %c0_i32_1 = arith.constant 0 : i32
    return %c0_i32, %c0_i32_0 : i32, i32
  }
  func.func @transform_10(%arg0: i32) -> (i32, i32) {
    %c0_i32 = arith.constant 0 : i32
    %c0_i32_0 = arith.constant 0 : i32
    %c0_i32_1 = arith.constant 0 : i32
    return %c0_i32, %c0_i32_0 : i32, i32
  }
  func.func @transform_11(%arg0: i32) -> (i32, i32) {
    %c0_i32 = arith.constant 0 : i32
    %c0_i32_0 = arith.constant 0 : i32
    %c0_i32_1 = arith.constant 0 : i32
    return %c0_i32, %c0_i32_0 : i32, i32
  }
  func.func @transform_12(%arg0: i32) -> (i32, i32) {
    %c0_i32 = arith.constant 0 : i32
    %c0_i32_0 = arith.constant 0 : i32
    %c0_i32_1 = arith.constant 0 : i32
    return %c0_i32, %c0_i32_0 : i32, i32
  }
  func.func @transform_13(%arg0: i32) -> (i32, i32) {
    %c0_i32 = arith.constant 0 : i32
    %c0_i32_0 = arith.constant 0 : i32
    %c0_i32_1 = arith.constant 0 : i32
    return %c0_i32, %c0_i32_0 : i32, i32
  }
  func.func @transform_14(%arg0: i32) -> (i32, i32) {
    %c0_i32 = arith.constant 0 : i32
    %c0_i32_0 = arith.constant 0 : i32
    %c0_i32_1 = arith.constant 0 : i32
    return %c0_i32, %c0_i32_0 : i32, i32
  }
  func.func @transform_15(%arg0: i32) -> (i32, i32) {
    %c0_i32 = arith.constant 0 : i32
    %c0_i32_0 = arith.constant 0 : i32
    return %arg0, %c0_i32 : i32, i32
  }
}

</mosaic_0001>

<sc_bundles>
// kernel: kernel.12.cloned.1.call-start
scs
__scs_entry_jumppad:
0x0: {  	(pc) =	sbr.rel $0x88, $3  }
0x1: {  	(tag) =	ssettag $0x0;
	lr =	simm.s32 $0x1  }
0x2: {  	[smem:$0x3F7B] =	sst lr;
	_ =	strace $0xD0000000  }
0x3: {  	_ = 	snop  }
0x4: {  	_ = 	snop  }
0x5: {  	_ = 	snop  }
0x6: {  	_ = 	snop  }
0x7: {  	_ = 	snop  }
__scs_overlays_trampoline_lowered:
0x8: {  	[smem:$0x3F8A] =	sst s0  }
0x9: {  	[smem:$0x3F8B] =	sst s1  }
0xa: {  	[smem:$0x3F8C] =	sst s2  }
0xb: {  	[smem:$0x3F8D] =	sst s3  }
0xc: {  	[smem:$0x3F8E] =	sst s4  }
0xd: {  	[smem:$0x3F8F] =	sst s5  }
0xe: {  	[smem:$0x3F90] =	sst s6  }
0xf: {  	[smem:$0x3F91] =	sst s7  }
0x10: {  	[smem:$0x3F92] =	sst s8  }
0x11: {  	[smem:$0x3F93] =	sst s9;
	s0 =	simm.s32 @!p0 $0x0  }
0x12: {  	s1 =	sld [smem:$0x3F79];
	s0 =	simm.s32 @p0 $0x1  }
0x13: {  	[smem:$0x3F94] =	sst s0;
	s0 =	simm.s32 @!p1 $0x0  }
0x14: {  	s2 =	sld [smem:$0x3F78];
	s0 =	simm.s32 @p1 $0x1  }
0x15: {  	[smem:$0x3F95] =	sst s0;
	s0 =	simm.s32 @!p2 $0x0  }
0x16: {  	s3 =	sld [smem:$0x3FDB];
	s0 =	simm.s32 @p2 $0x1  }
0x17: {  	s4 =	simm.s32 $0x1BF5;
	[smem:$0x3F97] =	sst s0  }
0x18: {  	s0 =	sld [smem:$0x3F7A];
	_ =	swait.ge [sflag:s4], $0x0  }
0x19: {  	s7 =	sld [smem:$0x3F7B]  }
0x1a: {  	s8 =	sadd.s32 $0xFFFFE003, lr  }
0x1b: {  	s9 =	sadd.s32 $0xFFFFFEF7, lr;
	s5 =	simm.s32 $0xFFFFFFFF;
	p2 =	slt.u32 s8, $0xFFFFF086  }
0x1c: {  	p1 =	slt.u32 s9, $0xF7A;
	s5 =	simm.s32 @!p2 $0x0  }
0x1d: {  	s5 =	simm.s32 @p1 $0x1;
	p0 =	seq.s32 s7, s2  }
0x1e: {  	s7 =	smul.u32 @!p0 $0xF7A, s2;
	p2 =	seq.s32 @!p0 s5, $0x0  }
0x1f: {  	s9 =	smul.u32 $0xF7A, s1;
	s8 =	simm.s32 @!p0 $0x1BF5;
	p2 =	por !p2, p0  }
0x20: {  	[sflag:s8] =	ssyncset.s32 @!p0 $0xFFFFF086;
	s6 =	sadd.s32 @!p0 s3, s7;
	s7 =	simm.s32 @!p0 $0x108  }
0x21: {  	s3 =	sadd.s32 s3, s9;
	s6 =	sadd.s32 @!p0 $0x88, s6;
	s7 =	simm.s32 @p2 $0x1082  }
0x22: {  	[simem:s7], [sflag:s8] =	dma.local @!p0 [hbm:s6], $0xF7A  }
0x23: {  	s9 =	sor.u32 $0xD0000000, s2;
	s6 =	simm.s32 $0x108;
	_ =	swait.ge @!p0 [sflag:s8], $0x0  }
0x24: {  	s3 =	sadd.s32 $0x88, s3;
	s6 =	simm.s32 @!p1 $0x1082;
	[sflag:s4] =	ssyncset.s32 $0xFFFFF086  }
0x25: {  	[simem:s6], [sflag:s4] =	dma.local [hbm:s3], $0xF7A  }
0x26: {  	[smem:$0x3F7B] =	sst s1;
	(tag) =	ssettag s2;
	_ =	strace s9  }
0x27: {  	s1 =	sld [smem:$0x3F8B]  }
0x28: {  	s2 =	sld [smem:$0x3F8C]  }
0x29: {  	s4 =	sld [smem:$0x3F8E]  }
0x2a: {  	p0 =	seq.s32 s5, $0x0;
	s5 =	sld [smem:$0x3F8F]  }
0x2b: {  	s6 =	sld [smem:$0x3F90]  }
0x2c: {  	s7 =	sld [smem:$0x3F91]  }
0x2d: {  	s3 =	simm.s32 $0x108;
	s8 =	sld [smem:$0x3F92]  }
0x2e: {  	s3 =	simm.s32 @!p0 $0x1082;
	s9 =	sld [smem:$0x3F93]  }
0x2f: {  	lr =	sadd.s32 s0, s3;
	s0 =	sld [smem:$0x3F8A]  }
0x30: {  	s3 =	sld [smem:$0x3F8D]  }
0x31: {  	[smem:$0x3F96] =	sst s10  }
0x32: {  	s10 =	sld [smem:$0x3F94];
	_ =	sdelay $0x3  }
0x33: {  	p0 =	seq.s32 s10, $0x1;
	s10 =	sld [smem:$0x3F96];
	_ =	sdelay $0x3  }
0x34: {  	[smem:$0x3F96] =	sst s10  }
0x35: {  	s10 =	sld [smem:$0x3F95];
	_ =	sdelay $0x3  }
0x36: {  	p1 =	seq.s32 s10, $0x1;
	s10 =	sld [smem:$0x3F96];
	_ =	sdelay $0x3  }
0x37: {  	[smem:$0x3F96] =	sst s10  }
0x38: {  	s10 =	sld [smem:$0x3F97]  }
0x39: {  	_ = 	snop;
	(pc) =	sbr.ind lr, $3  }
0x3a: {  	_ = 	snop  }
0x3b: {  	_ = 	snop  }
0x3c: {  	p2 =	seq.s32 s10, $0x1;
	s10 =	sld [smem:$0x3F96]  }
0x3d: {  	_ =	shalt  }
0x3e: {  	_ =	shalt  }
0x3f: {  	_ =	shalt  }
0x40: {  	_ =	shalt  }
0x41: {  	_ =	shalt  }
0x42: {  	_ =	shalt  }
0x43: {  	_ =	shalt  }
0x44: {  	_ =	shalt  }
0x45: {  	_ =	shalt  }
0x46: {  	_ =	shalt  }
0x47: {  	_ =	shalt  }
0x48: {  	_ =	shalt  }
0x49: {  	_ =	shalt  }
0x4a: {  	_ =	shalt  }
0x4b: {  	_ =	shalt  }
0x4c: {  	_ =	shalt  }
0x4d: {  	_ =	shalt  }
0x4e: {  	_ =	shalt  }
0x4f: {  	_ =	shalt  }
0x50: {  	_ =	shalt  }
0x51: {  	_ =	shalt  }
0x52: {  	_ =	shalt  }
0x53: {  	_ =	shalt  }
0x54: {  	_ =	shalt  }
0x55: {  	_ =	shalt  }
0x56: {  	_ =	shalt  }
0x57: {  	_ =	shalt  }
0x58: {  	_ =	shalt  }
0x59: {  	_ =	shalt  }
0x5a: {  	_ =	shalt  }
0x5b: {  	_ =	shalt  }
0x5c: {  	_ =	shalt  }
0x5d: {  	_ =	shalt  }
0x5e: {  	_ =	shalt  }
0x5f: {  	_ =	shalt  }
0x60: {  	_ =	shalt  }
0x61: {  	_ =	shalt  }
0x62: {  	_ =	shalt  }
0x63: {  	_ =	shalt  }
0x64: {  	_ =	shalt  }
0x65: {  	_ =	shalt  }
0x66: {  	_ =	shalt  }
0x67: {  	_ =	shalt  }
0x68: {  	_ =	shalt  }
0x69: {  	_ =	shalt  }
0x6a: {  	_ =	shalt  }
0x6b: {  	_ =	shalt  }
0x6c: {  	_ =	shalt  }
0x6d: {  	_ =	shalt  }
0x6e: {  	_ =	shalt  }
0x6f: {  	_ =	shalt  }
0x70: {  	_ =	shalt  }
0x71: {  	_ =	shalt  }
0x72: {  	_ =	shalt  }
0x73: {  	_ =	shalt  }
0x74: {  	_ =	shalt  }
0x75: {  	_ =	shalt  }
0x76: {  	_ =	shalt  }
0x77: {  	_ =	shalt  }
0x78: {  	_ =	shalt  }
0x79: {  	_ =	shalt  }
0x7a: {  	_ =	shalt  }
0x7b: {  	_ =	shalt  }
0x7c: {  	_ =	shalt  }
0x7d: {  	_ =	shalt  }
0x7e: {  	_ =	shalt  }
0x7f: {  	_ =	shalt  }
0x80: {  	_ =	shalt  }
0x81: {  	_ =	shalt  }
0x82: {  	_ =	shalt  }
0x83: {  	_ =	shalt  }
0x84: {  	_ =	shalt  }
0x85: {  	_ =	shalt  }
0x86: {  	_ =	shalt  }
0x87: {  	_ =	shalt  }
.Lfunc_end0:
.L_simem_size_0:
called_computation_lowered:
.L_overlay_start_0:
0x88: {  	s2 =	sld [smem:$0x3FD9]  }
0x89: {  	s3 =	sld [smem:$0x3FFE];
	_ =	sdelay $0x1  }
0x8a: {  	s1 =	srdreg.scid  }
0x8b: {  	s0 =	sand.u32 $0x1, s1  }
0x8c: {  	s14 =	sshll.u32 s0, $0xA;
	s2 =	sadd.s32 s3, s2  }
0x8d: {  	s2 =	sadd.s32 s2, s14  }
0x8e: {  	[smem:$0x3FA2] =	sst s2  }
0x8f: {  	_ = 	snop  }
0x90: {  	s2 =	sld [smem:$0x3FD0];
	_ =	sdelay $0x2  }
0x91: {  	s15 =	simm.s32 $0xA;
	s4 =	simm.s32 $0x10  }
0x92: {  	[smem:s4], [sflag:s15] =	dma.local [hbm:s2], $0x1  }
0x93: {  	_ =	swait.eq [sflag:s15], $0x1  }
0x94: {  	[sflag:s15] =	ssyncset.done $0x0  }
0x95: {  	[sflag:s15] =	ssyncadd.s32 $0xFFFFFFFF  }
0x96: {  	s16 =	sld [smem:$0x11];
	(tm) =	ssettm $0x1  }
0x97: {  	s17 =	sld [smem:$0x3FFB];
	_ =	sdelay $0x3  }
0x98: {  	_ =	strace s17  }
0x99: {  	s3 =	sld [smem:$0x3FFC];
	_ =	sdelay $0x3  }
0x9a: {  	_ =	strace s3  }
0x9b: {  	s3 =	sld [smem:$0x3FFD];
	_ =	sdelay $0x3  }
0x9c: {  	_ =	strace s3  }
0x9d: {  	_ =	strace $0x8FFFFFFF  }
0x9e: {  	s18 =	sld [smem:$0x3FDB];
	_ =	sdelay $0x1  }
0x9f: {  	s19 =	simm.s32 $_scs_section_size  }
0xa0: {  	s5 =	simm.s32 $_size__tile_overlayer_lowered;
	s6 =	simm.s32 $_tile_overlayer_lowered  }
0xa1: {  	s22 =	simm.s32 $0x1BFF;
	s21 =	sshll.u32 s6, $0x1;
	s3 =	sadd.s32 s19, s18  }
0xa2: {  	s7 =	simm.s32 $0x0;
	s20 =	sshll.u32 s5, $0x1;
	s5 =	sadd.s32 s21, s3  }
0xa3: {  	[timem:s7], [sflag:s22] =	dma.local [hbm:s5], s20  }
0xa4: {  	_ =	swait.ge [sflag:s22], s20  }
0xa5: {  	s4 =	ssub.s32 $0x0, s20;
	[sflag:s22] =	ssyncset.done $0x0  }
0xa6: {  	[sflag:s22] =	ssyncadd.s32 s4;
	_ =	sdelay $0x1  }
0xa7: {  	s23 =	simm.s32 $0x1B8B  }
0xa8: {  	_ =	swait.ge [sflag:s23], $0x1  }
0xa9: {  	[sflag:s23] =	ssyncset.done $0x0  }
0xaa: {  	s25 =	simm.s32 $0x1B8E;
	s24 =	sld [smem:$0x3FFE];
	[sflag:s23] =	ssyncadd.s32 $0xFFFFFFFF  }
0xab: {  	s26 =	simm.s32 $execute0_lowered;
	[smem:$0x3FD2] =	sst s25  }
0xac: {  	s5 =	sshll.u32 s26, $0x1;
	_ =	strace $0x80000046;
	[dreg:$0x1] =	wrdreg $0xFFFFFFFF  }
0xad: {  	s28 =	simm.s32 $_size_execute0_lowered;
	s3 =	sadd.s32 s3, s5;
	[dreg:$0x0] =	wrdreg $0x0  }
0xae: {  	s5 =	sshll.u32 s28, $0x1;
	[dreg:$0x2] =	wrdreg s3  }
0xaf: {  	[dreg:$0x3] =	wrdreg s5  }
0xb0: {  	[dreg:$0x4] =	wrdreg $0xC0  }
0xb1: {  	_ =	task [dreg:s7], $0x5FFFF  }
0xb2: {  	[dreg:$0x1] =	wrdreg $0xFFFFFFFF  }
0xb3: {  	[dreg:$0x0] =	wrdreg $0x60  }
0xb4: {  	[dreg:$0x2] =	wrdreg s24  }
0xb5: {  	[dreg:$0x3] =	wrdreg s16  }
0xb6: {  	[dreg:$0x4] =	wrdreg $0x9  }
0xb7: {  	_ =	task.clear_ibuf [dreg:s7], $0x5FFFF;
	_ =	strace $0x90000046  }
0xb8: {  	s29 =	simm.s32 $0x9;
	_ =	strace $0x80000048  }
0xb9: {  	_ =	swait.ge [sflag:s29], $0x1  }
0xba: {  	[sflag:s29] =	ssyncadd.s32 $0xFFFFFFFF  }
0xbb: {  	_ =	strace $0x90000048  }
0xbc: {  	_ =	sfence  }
0xbd: {  	s30 =	sld [smem:$0x0];
	_ =	sdelay $0x2  }
0xbe: {  	s31 =	sshll.u32 s1, $0xD;
	s1 =	sshrl.u32 s1, $0x2  }
0xbf: {  	s3 =	sand.u32 $0x4000, s31;
	s1 =	sadd.s32 s1, s30  }
0xc0: {  	s0 =	sor.u32 s3, s0;
	s1 =	sshll.u32 s1, $0x11  }
0xc1: {  	s0 =	sor.u32 s1, s0  }
0xc2: {  	s0 =	sadd.s32 $0x8F2B, s0  }
0xc3: {  	[sflag:s0] =	ssyncadd.remote.s32 $0x1  }
0xc4: {  	_ =	sfence.sel $0xFFFF  }
0xc5: {  	[dreg:$0x0] =	wrdreg $0xFFFFFFFF;
	(pc) =	sbr.abs _section_cstart, $3  }
0xc6: {  	[dreg:$0x1] =	wrdreg $0xFFFFFFFF  }
0xc7: {  	_ =	task.clear_ibuf [dreg:s7], $0x2FFFF;
	_ =	strace $0x9FFFFFFF  }
0xc8: {  	(tm) =	ssettm $0x7FFFFFFF  }
0xc9: {  	_ =	shalt  }
tec
execute0_lowered:
.L_overlay_start_1:
0x0: {  	(tag) =	ssettag $0x1  }
0x1: {  	s1 =	srdreg.scid;
	s9 =	rddreg [dreg:$0x0]  }
0x2: {  	s0 =	stileid.u32;
	s3 =	rddreg [dreg:$0x1]  }
0x3: {  	s2 =	simm.s32 $0x0;
	s7 =	simm.s32 $0x80;
	s6 =	sand.u32 $0x1, s1  }
0x4: {  	s4 =	sshll.u32 s0, $0x5;
	s1 =	rddreg [dreg:$0x2];
	s5 =	sshll.u32 s6, $0x4  }
0x5: {  	s8 =	simm.s32 $0x1;
	[smem:$0x7FF] =	sst s2;
	s10 =	sor.u32 s5, s4  }
0x6: {  	_ =	strace $0x80000047;
	s11 =	ssub.s32 $0x2, s6;
	s4 =	sshrl.u32 s10, $0x3  }
0x7: {  	s6 =	simm.s32 $0x10;
	s4 =	sadd.s32 s3, s4;
	s3 =	simm.s32 $0x2  }
0x8: {  	[tilespmem:s2], [sflag:$0x2] =	stream.linear.gather [hbm4b:s4+s2], $0x10, $0x38;
	[tilespmem:$0x880] =	vst v63  }
0x9: {  	s5 =	sadd.s32 $0x4400, s9;
	s12 =	sshrl.u32 s11, $0x1;
	_ =	swait.ge [sflag:s3], $0x10  }
0xa: {  	s10 =	sshll.u32 s10, $0x4;
	s31 =	ssub.s32 s11, s12;
	[sflag:s3] =	ssyncset.done $0x0  }
0xb: {  	s9 =	sadd.s32 s10, s9;
	s10 =	smax.u32 s31, $0x1;
	[sflag:s3] =	ssyncadd.s32 $0xFFFFFFF0  }
0xc: {  	[tilespmem:s7], [sflag:$0x1] =	stream.indirect.gather [hbm4b:s5+s6], $0x80, s2, s6, $0xb8;
	[tilespmem:$0x880] =	vst v63  }
0xd: {  	p0 =	sne.s32 s10, $0x1;
	_ =	swait.ge [sflag:s8], $0x800  }
.Ltmp0:
0xe: {  	[sflag:s8] =	ssyncset.done $0x0;
	(pc) =	sbr.rel @!p0 .LBB2_2-.Ltmp0, $4  }
0xf: {  	s9 =	sadd.s32 $0xC400, s9;
	[sflag:s8] =	ssyncadd.s32 $0xFFFFF800  }
0x10: {  	[hbm4b:s9+s2] =	stream.linear.scatter [tilespmem:s7], [sflag:$0x2], $0x800, $0x38;
	[tilespmem:$0x880] =	vst v63  }
0x11: {  	_ =	swait.ge [sflag:s3], $0x800  }
0x12: {  	s10 =	sadd.s32 $0xFFFFFFFF, s10;
	[sflag:s3] =	ssyncset.done $0x0  }
.LBB2_1:
0x13: {  	p0 =	sne.s32 s10, $0x1;
	s10 =	sadd.s32 $0xFFFFFFFF, s10;
	[sflag:s3] =	ssyncadd.s32 $0xFFFFF800  }
0x14: {  	[tilespmem:s2], [sflag:$0x2] =	stream.linear.gather [hbm4b:s4+s2], $0x10, $0x38;
	[tilespmem:$0x880] =	vst v63  }
0x15: {  	_ =	swait.ge [sflag:s3], $0x10  }
0x16: {  	[sflag:s3] =	ssyncset.done $0x0  }
0x17: {  	[sflag:s3] =	ssyncadd.s32 $0xFFFFFFF0  }
0x18: {  	[tilespmem:s7], [sflag:$0x1] =	stream.indirect.gather [hbm4b:s5+s6], $0x80, s2, s6, $0xb8;
	[tilespmem:$0x880] =	vst v63  }
0x19: {  	_ =	swait.ge [sflag:s8], $0x800  }
.Ltmp1:
0x1a: {  	[sflag:s8] =	ssyncset.done $0x0;
	(pc) =	sbr.rel @p0 .LBB2_1-.Ltmp1, $4  }
0x1b: {  	[sflag:s8] =	ssyncadd.s32 $0xFFFFF800  }
0x1c: {  	[hbm4b:s9+s2] =	stream.linear.scatter [tilespmem:s7], [sflag:$0x2], $0x800, $0x38;
	[tilespmem:$0x880] =	vst v63  }
0x1d: {  	_ =	swait.ge [sflag:s3], $0x800  }
0x1e: {  	[sflag:s3] =	ssyncset.done $0x0  }
.LBB2_2:
0x1f: {  	[sflag:s3] =	ssyncadd.s32 $0xFFFFF800  }
0x20: {  	_ =	sfence.sel $0x180000  }
0x21: {  	[bflag:$0x0] =	sbarrier.arrive $0xFFFF  }
0x22: {  	p0 =	sne.s32 s0, $0x0;
	_ =	strace $0x90000047  }
0x23: {  	s0 =	sadd.s32 @!p0 $0x100000, s1;
	[bflag:$0x2] =	sbarrier.arrive $0xFFFF  }
0x24: {  	[sflag:s0] =	ssyncadd.tile.s32 @!p0 $0x1;
	_ =	shalt  }
.Lfunc_end2:
_tile_overlayer_lowered:
.L_overlay_start_2:
0x25: {  	(tag) =	ssettag $0x2  }
0x26: {  	s0 =	rddreg [dreg:$0x0];
	s2 =	stileid.u32  }
0x27: {  	s1 =	rddreg [dreg:$0x1];
	p0 =	sne.s32 s2, $0x0  }
0x28: {  	s3 =	rddreg [dreg:$0x2];
	[bflag:$0x3] =	sbarrier.arrive $0xFFFF;
	s2 =	simm.s32 @!p0 $0x1C02  }
0x29: {  	[timem:s3], [sflag:s2] =	dma.local @!p0 [hbm:s0], s1  }
0x2a: {  	s0 =	simm.s32 @!p0 $0x2  }
0x2b: {  	_ =	swait.ge @!p0 [sflag:s0], s1  }
0x2c: {  	s1 =	ssub.s32 @!p0 $0x0, s1;
	[sflag:s0] =	ssyncset.done @!p0 $0x0  }
0x2d: {  	[sflag:s0] =	ssyncadd.s32 @!p0 s1  }
0x2e: {  	[bflag:$0x3] =	sbarrier.arrive $0xFFFF  }
0x2f: {  	_ =	shalt  }

</sc_bundles>
